<compile_context>
chip_gen: v7x
topology: tpu7x:2x2x1
jax: 0.10.2.dev20260603
libtpu: 0.0.44.dev20260713+nightly
codegen_flags: <defaults>
</compile_context>

<pallas_src>
import jax
import jax.numpy as jnp
from jax import lax
from jax.experimental import pallas as pl
from jax.experimental.pallas import tpu as pltpu
from jax.experimental.pallas import tpu_sc as plsc

NC = 2
NS = 16
NW = NC * NS
CHUNK = 320
WINDOWS = ((0, 128), (128, 128), (256, 64))


def _emb_kernel(tok_hbm, comb_hbm, idx_hbm, cidx_hbm, out_hbm,
                idx_v0, idx_v1, cidx_v0, cidx_v1, tok_v0, tok_v1, comb_sh,
                semg0, semg1, semc0, semc1, semo0, semo1, semi0, semi1):
  n_rows = out_hbm.shape[0]
  rows_per_tile = n_rows // NW
  n_chunks = rows_per_tile // CHUNK
  wid = lax.axis_index("s") * NC + lax.axis_index("c")
  row0 = wid * rows_per_tile

  @pl.when(lax.axis_index("s") == 0)
  def _load_comb():
    pltpu.sync_copy(comb_hbm, comb_sh)

  plsc.subcore_barrier()

  def fire_idx(k, iv, cv, sem):
    rb = row0 + k * CHUNK
    pltpu.async_copy(idx_hbm.at[pl.ds(rb, CHUNK)], iv, sem)
    pltpu.async_copy(cidx_hbm.at[pl.ds(rb, CHUNK)], cv, sem)

  def drain_idx(iv, cv, sem):
    pltpu.make_async_copy(idx_hbm.at[pl.ds(0, CHUNK)], iv, sem).wait()
    pltpu.make_async_copy(cidx_hbm.at[pl.ds(0, CHUNK)], cv, sem).wait()

  def fire_g(iv, tv, sem):
    for off, ln in WINDOWS:
      w = pl.ds(off, ln)
      pltpu.async_copy(tok_hbm.at[iv.at[w]], tv.at[w], sem)

  def drain_g(iv, tv, sem):
    for off, ln in WINDOWS:
      w = pl.ds(off, ln)
      pltpu.make_async_copy(tok_hbm.at[iv.at[w]], tv.at[w], sem).wait()

  def fire_comb(cv, tv, sem):
    for off, ln in WINDOWS:
      w = pl.ds(off, ln)
      pltpu.async_copy(comb_sh.at[cv.at[w]], tv.at[w], sem, add=True)

  def drain_comb(cv, tv, sem):
    for off, ln in WINDOWS:
      w = pl.ds(off, ln)
      pltpu.make_async_copy(comb_sh.at[cv.at[w]], tv.at[w], sem).wait()

  def fire_out(k, tv, sem):
    rb = row0 + k * CHUNK
    pltpu.async_copy(tv, out_hbm.at[pl.ds(rb, CHUNK)], sem)

  def drain_out(tv, sem):
    pltpu.make_async_copy(tv, out_hbm.at[pl.ds(0, CHUNK)], sem).wait()

  fire_idx(0, idx_v0, cidx_v0, semi0)
  fire_idx(1, idx_v1, cidx_v1, semi1)
  drain_idx(idx_v0, cidx_v0, semi0)
  fire_g(idx_v0, tok_v0, semg0)

  drain_g(idx_v0, tok_v0, semg0)
  drain_idx(idx_v1, cidx_v1, semi1)
  fire_g(idx_v1, tok_v1, semg1)
  fire_comb(cidx_v0, tok_v0, semc0)
  drain_comb(cidx_v0, tok_v0, semc0)
  fire_idx(2, idx_v0, cidx_v0, semi0)
  fire_out(0, tok_v0, semo0)

  @pl.loop(1, n_chunks - 2, step=2)
  def _pair(k):
    drain_g(idx_v1, tok_v1, semg1)
    drain_out(tok_v0, semo0)
    drain_idx(idx_v0, cidx_v0, semi0)
    fire_g(idx_v0, tok_v0, semg0)
    fire_comb(cidx_v1, tok_v1, semc1)
    drain_comb(cidx_v1, tok_v1, semc1)
    fire_idx(k + 2, idx_v1, cidx_v1, semi1)
    fire_out(k, tok_v1, semo1)

    drain_g(idx_v0, tok_v0, semg0)
    drain_out(tok_v1, semo1)
    drain_idx(idx_v1, cidx_v1, semi1)
    fire_g(idx_v1, tok_v1, semg1)
    fire_comb(cidx_v0, tok_v0, semc0)
    drain_comb(cidx_v0, tok_v0, semc0)

    @pl.when(k + 3 < n_chunks)
    def _():
      fire_idx(k + 3, idx_v0, cidx_v0, semi0)

    fire_out(k + 1, tok_v0, semo0)

  drain_g(idx_v1, tok_v1, semg1)
  drain_out(tok_v0, semo0)
  fire_comb(cidx_v1, tok_v1, semc1)
  drain_comb(cidx_v1, tok_v1, semc1)
  fire_out(n_chunks - 1, tok_v1, semo1)
  drain_out(tok_v1, semo1)


def kernel(x, segment_label, token_table, position_table, segment_table):
  batch, seq = x.shape
  emb = token_table.shape[1]
  n = batch * seq

  table128 = jnp.pad(token_table.T, ((0, 128 - emb), (0, 0))).T

  nseg = segment_table.shape[0]
  combined = (position_table[:seq, None, :]
              + segment_table[None, :, :]).reshape(seq * nseg, emb)
  comb128 = jnp.pad(combined, ((0, 0), (0, 128 - emb)))

  idx = x.reshape(n).astype(jnp.int32)
  cidx = (jnp.arange(seq, dtype=jnp.int32)[None, :] * nseg
          + segment_label.astype(jnp.int32)).reshape(n)

  mesh = plsc.VectorSubcoreMesh(core_axis_name="c", subcore_axis_name="s",
                                num_cores=NC, num_subcores=NS)
  run = pl.kernel(
      _emb_kernel,
      out_type=jax.ShapeDtypeStruct((n, 128), jnp.float32),
      mesh=mesh,
      scratch_types=[
          pltpu.VMEM((CHUNK,), jnp.int32),
          pltpu.VMEM((CHUNK,), jnp.int32),
          pltpu.VMEM((CHUNK,), jnp.int32),
          pltpu.VMEM((CHUNK,), jnp.int32),
          pltpu.VMEM((CHUNK, 128), jnp.float32),
          pltpu.VMEM((CHUNK, 128), jnp.float32),
          pltpu.VMEM_SHARED((seq * segment_table.shape[0], 128), jnp.float32),
          pltpu.SemaphoreType.DMA,
          pltpu.SemaphoreType.DMA,
          pltpu.SemaphoreType.DMA,
          pltpu.SemaphoreType.DMA,
          pltpu.SemaphoreType.DMA,
          pltpu.SemaphoreType.DMA,
          pltpu.SemaphoreType.DMA,
          pltpu.SemaphoreType.DMA,
      ],
      compiler_params=pltpu.CompilerParams(use_tc_tiling_on_sc=True),
  )
  out128 = run(table128, comb128, idx, cidx)
  return out128.reshape(batch, seq, 128)[:, :, :emb]

# --- scband reference (transcript-rebuilt; emitter-appended) ---
"""Pipeline reference for scband-bertembedding-61435212202096 (READ-ONLY COPY).

The authoritative reference and input builder live on the scoring server;
editing this copy changes nothing except your own understanding.
"""

import jax, jax.numpy as jnp
import numpy as np

VOCAB = 1000000
EMB = 64
SEQ_MAX = 2048
B = 4096
L = 200

def setup_inputs(seed: int = 0) -> dict:
    key = jax.random.key(seed)
    k1, k2, k3, k4, k5 = jax.random.split(key, 5)
    x = jax.random.randint(k1, (B, L), 0, VOCAB, dtype=jnp.int64 if jax.config.jax_enable_x64 else jnp.int32)
    segment_label = jax.random.randint(k2, (B, L), 0, 3, dtype=jnp.int64 if jax.config.jax_enable_x64 else jnp.int32)
    token_table = jax.random.normal(k3, (VOCAB, EMB), dtype=jnp.float32) * 0.02
    position_table = jax.random.normal(k4, (SEQ_MAX, EMB), dtype=jnp.float32) * 0.02
    segment_table = jax.random.normal(k5, (3, EMB), dtype=jnp.float32) * 0.02
    return {"x": x, "segment_label": segment_label, "token_table": token_table, "position_table": position_table, "segment_table": segment_table}

def reference(x, segment_label, token_table, position_table, segment_table):
    # token embedding: gather rows of the big table
    token_emb = jnp.take(token_table, x, axis=0)            # [B, L, EMB]
    # position embedding: arange over seq dim, broadcast over batch
    pos_ids = jnp.arange(x.shape[1])
    position_emb = jnp.take(position_table, pos_ids, axis=0)  # [L, EMB]
    # segment embedding
    segment_emb = jnp.take(segment_table, segment_label, axis=0)  # [B, L, EMB]
    # dropout is identity in eval / deterministic reference
    return token_emb + position_emb[None, :, :] + segment_emb

if __name__ == "__main__":
    import jax
    _d = setup_inputs()
    print(jax.jit(kernel)(*tuple(_d.values())))

</pallas_src>

<mosaic_0001>
#map = affine_map<(d0, d1) -> (0, 0)>
#map1 = affine_map<(d0, d1) -> (0)>
module attributes {stable_mosaic.version = 14 : i64} {
  func.func @_emb_kernel(%arg0: i32, %arg1: i32, %arg2: memref<1000000x128xf32, #tpu.memory_space<hbm>>, %arg3: memref<600x128xf32, #tpu.memory_space<hbm>>, %arg4: memref<819200xi32, #tpu.memory_space<hbm>>, %arg5: memref<819200xi32, #tpu.memory_space<hbm>>, %arg6: memref<819200x128xf32, #tpu.memory_space<hbm>>, %arg7: memref<320xi32, #tpu.memory_space<vmem>>, %arg8: memref<320xi32, #tpu.memory_space<vmem>>, %arg9: memref<320xi32, #tpu.memory_space<vmem>>, %arg10: memref<320xi32, #tpu.memory_space<vmem>>, %arg11: memref<320x128xf32, #tpu.memory_space<vmem>>, %arg12: memref<320x128xf32, #tpu.memory_space<vmem>>, %arg13: memref<600x128xf32, #tpu.memory_space<vmem_shared>>, %arg14: memref<!tpu.dma_semaphore, #tpu.memory_space<semaphore_mem>>, %arg15: memref<!tpu.dma_semaphore, #tpu.memory_space<semaphore_mem>>, %arg16: memref<!tpu.dma_semaphore, #tpu.memory_space<semaphore_mem>>, %arg17: memref<!tpu.dma_semaphore, #tpu.memory_space<semaphore_mem>>, %arg18: memref<!tpu.dma_semaphore, #tpu.memory_space<semaphore_mem>>, %arg19: memref<!tpu.dma_semaphore, #tpu.memory_space<semaphore_mem>>, %arg20: memref<!tpu.dma_semaphore, #tpu.memory_space<semaphore_mem>>, %arg21: memref<!tpu.dma_semaphore, #tpu.memory_space<semaphore_mem>>) attributes {dimension_semantics = [#tpu.dimension_semantics<core_parallel>, #tpu.dimension_semantics<subcore_parallel>], iteration_bounds = array<i64: 2, 16>, scalar_prefetch = 0 : i64, scratch_operands = 15 : i64, tpu.core_type = #tpu.core_type<sc_vector_subcore>, window_params = [{transform_indices = #map}, {transform_indices = #map}, {transform_indices = #map1}, {transform_indices = #map1}, {transform_indices = #map}]} {
    %mul3A = arith.constant 2 : i32
    %mul3A_0 = arith.muli %arg1, %mul3A : i32
    %add3A = arith.addi %mul3A_0, %arg0 : i32
    %mul3A_1 = arith.constant 25600 : i32
    %mul3A_2 = arith.muli %add3A, %mul3A_1 : i32
    %eq3A = arith.constant 0 : i32
    %eq3A_3 = arith.cmpi eq, %arg1, %eq3A : i32
    %convert_element_type3A = arith.extui %eq3A_3 : i1 to i32
    %cond3A = arith.constant 0 : i32
    %cond3A_4 = arith.cmpi ne, %convert_element_type3A, %cond3A : i32
    scf.if %cond3A_4 {
      "tpu.region"() ({
        %run_scoped3A = tpu.sem_alloc : memref<!tpu.dma_semaphore, #tpu.memory_space<semaphore_mem>>
        tpu.enqueue_dma source(%arg3 : memref<600x128xf32, #tpu.memory_space<hbm>>) target(%arg13 : memref<600x128xf32, #tpu.memory_space<vmem_shared>>) target_semaphore(%run_scoped3A : memref<!tpu.dma_semaphore, #tpu.memory_space<semaphore_mem>>)
        tpu.wait_dma2 semaphore(%run_scoped3A : memref<!tpu.dma_semaphore, #tpu.memory_space<semaphore_mem>>) src(%arg3 : memref<600x128xf32, #tpu.memory_space<hbm>>) dst(%arg13 : memref<600x128xf32, #tpu.memory_space<vmem_shared>>)
        tpu.yield
      }) : () -> ()
    } else {
    }
    %barrier3A = arith.constant 0 : index
    tpu.barrier barrier_id(%barrier3A)
    %add3A_5 = arith.constant 0 : i32
    %add3A_6 = arith.addi %mul3A_2, %add3A_5 : i32
    %dma_start3A = tpu.memref_slice %arg4[%add3A_6] : memref<819200xi32, #tpu.memory_space<hbm>> -> memref<320xi32, #tpu.memory_space<hbm>>
    %dma_start3A_7 = tpu.memref_slice %arg4[%add3A_6] : memref<819200xi32, #tpu.memory_space<hbm>> -> memref<320xi32, #tpu.memory_space<hbm>>
    tpu.enqueue_dma source(%dma_start3A_7 : memref<320xi32, #tpu.memory_space<hbm>>) target(%arg7 : memref<320xi32, #tpu.memory_space<vmem>>) target_semaphore(%arg20 : memref<!tpu.dma_semaphore, #tpu.memory_space<semaphore_mem>>)
    %dma_start3A_8 = tpu.memref_slice %arg5[%add3A_6] : memref<819200xi32, #tpu.memory_space<hbm>> -> memref<320xi32, #tpu.memory_space<hbm>>
    %dma_start3A_9 = tpu.memref_slice %arg5[%add3A_6] : memref<819200xi32, #tpu.memory_space<hbm>> -> memref<320xi32, #tpu.memory_space<hbm>>
    tpu.enqueue_dma source(%dma_start3A_9 : memref<320xi32, #tpu.memory_space<hbm>>) target(%arg9 : memref<320xi32, #tpu.memory_space<vmem>>) target_semaphore(%arg20 : memref<!tpu.dma_semaphore, #tpu.memory_space<semaphore_mem>>)
    %add3A_10 = arith.constant 320 : i32
    %add3A_11 = arith.addi %mul3A_2, %add3A_10 : i32
    %dma_start3A_12 = tpu.memref_slice %arg4[%add3A_11] : memref<819200xi32, #tpu.memory_space<hbm>> -> memref<320xi32, #tpu.memory_space<hbm>>
    %dma_start3A_13 = tpu.memref_slice %arg4[%add3A_11] : memref<819200xi32, #tpu.memory_space<hbm>> -> memref<320xi32, #tpu.memory_space<hbm>>
    tpu.enqueue_dma source(%dma_start3A_13 : memref<320xi32, #tpu.memory_space<hbm>>) target(%arg8 : memref<320xi32, #tpu.memory_space<vmem>>) target_semaphore(%arg21 : memref<!tpu.dma_semaphore, #tpu.memory_space<semaphore_mem>>)
    %dma_start3A_14 = tpu.memref_slice %arg5[%add3A_11] : memref<819200xi32, #tpu.memory_space<hbm>> -> memref<320xi32, #tpu.memory_space<hbm>>
    %dma_start3A_15 = tpu.memref_slice %arg5[%add3A_11] : memref<819200xi32, #tpu.memory_space<hbm>> -> memref<320xi32, #tpu.memory_space<hbm>>
    tpu.enqueue_dma source(%dma_start3A_15 : memref<320xi32, #tpu.memory_space<hbm>>) target(%arg10 : memref<320xi32, #tpu.memory_space<vmem>>) target_semaphore(%arg21 : memref<!tpu.dma_semaphore, #tpu.memory_space<semaphore_mem>>)
    %dma_wait3A = arith.constant 0 : i32
    %dma_wait3A_16 = tpu.memref_slice %arg4[%dma_wait3A] : memref<819200xi32, #tpu.memory_space<hbm>> -> memref<320xi32, #tpu.memory_space<hbm>>
    %dma_wait3A_17 = arith.constant 0 : i32
    %dma_wait3A_18 = tpu.memref_slice %arg4[%dma_wait3A_17] : memref<819200xi32, #tpu.memory_space<hbm>> -> memref<320xi32, #tpu.memory_space<hbm>>
    tpu.wait_dma2 semaphore(%arg20 : memref<!tpu.dma_semaphore, #tpu.memory_space<semaphore_mem>>) src(%dma_wait3A_18 : memref<320xi32, #tpu.memory_space<hbm>>) dst(%arg7 : memref<320xi32, #tpu.memory_space<vmem>>)
    %dma_wait3A_19 = arith.constant 0 : i32
    %dma_wait3A_20 = tpu.memref_slice %arg5[%dma_wait3A_19] : memref<819200xi32, #tpu.memory_space<hbm>> -> memref<320xi32, #tpu.memory_space<hbm>>
    %dma_wait3A_21 = arith.constant 0 : i32
    %dma_wait3A_22 = tpu.memref_slice %arg5[%dma_wait3A_21] : memref<819200xi32, #tpu.memory_space<hbm>> -> memref<320xi32, #tpu.memory_space<hbm>>
    tpu.wait_dma2 semaphore(%arg20 : memref<!tpu.dma_semaphore, #tpu.memory_space<semaphore_mem>>) src(%dma_wait3A_22 : memref<320xi32, #tpu.memory_space<hbm>>) dst(%arg9 : memref<320xi32, #tpu.memory_space<vmem>>)
    %dma_start3A_23 = arith.constant 0 : i32
    %dma_start3A_24 = arith.constant 0 : i32
    %dma_start3A_25 = tpu.memref_slice %arg11[%dma_start3A_23, %dma_start3A_24] : memref<320x128xf32, #tpu.memory_space<vmem>> -> memref<128x128xf32, #tpu.memory_space<vmem>>
    %dma_start3A_26 = arith.constant 0 : i32
    %dma_start3A_27 = tpu.memref_slice %arg7[%dma_start3A_26] : memref<320xi32, #tpu.memory_space<vmem>> -> memref<128xi32, #tpu.memory_space<vmem>>
    %dma_start3A_28 = arith.constant 0 : i32
    %dma_start3A_29 = arith.constant 0 : i32
    %dma_start3A_30 = tpu.memref_slice %arg2[%dma_start3A_28, %dma_start3A_29] : memref<1000000x128xf32, #tpu.memory_space<hbm>> -> memref<1000000x128xf32, #tpu.memory_space<hbm>>
    tpu.enqueue_indirect_dma source(%dma_start3A_30 : memref<1000000x128xf32, #tpu.memory_space<hbm>>) target(%dma_start3A_25 : memref<128x128xf32, #tpu.memory_space<vmem>>) offsets(%dma_start3A_27 : memref<128xi32, #tpu.memory_space<vmem>>) semaphore(%arg14 : memref<!tpu.dma_semaphore, #tpu.memory_space<semaphore_mem>>)
    %dma_start3A_31 = arith.constant 128 : i32
    %dma_start3A_32 = arith.constant 0 : i32
    %dma_start3A_33 = tpu.memref_slice %arg11[%dma_start3A_31, %dma_start3A_32] : memref<320x128xf32, #tpu.memory_space<vmem>> -> memref<128x128xf32, #tpu.memory_space<vmem>>
    %dma_start3A_34 = arith.constant 128 : i32
    %dma_start3A_35 = tpu.memref_slice %arg7[%dma_start3A_34] : memref<320xi32, #tpu.memory_space<vmem>> -> memref<128xi32, #tpu.memory_space<vmem>>
    %dma_start3A_36 = arith.constant 0 : i32
    %dma_start3A_37 = arith.constant 0 : i32
    %dma_start3A_38 = tpu.memref_slice %arg2[%dma_start3A_36, %dma_start3A_37] : memref<1000000x128xf32, #tpu.memory_space<hbm>> -> memref<1000000x128xf32, #tpu.memory_space<hbm>>
    tpu.enqueue_indirect_dma source(%dma_start3A_38 : memref<1000000x128xf32, #tpu.memory_space<hbm>>) target(%dma_start3A_33 : memref<128x128xf32, #tpu.memory_space<vmem>>) offsets(%dma_start3A_35 : memref<128xi32, #tpu.memory_space<vmem>>) semaphore(%arg14 : memref<!tpu.dma_semaphore, #tpu.memory_space<semaphore_mem>>)
    %dma_start3A_39 = arith.constant 256 : i32
    %dma_start3A_40 = arith.constant 0 : i32
    %dma_start3A_41 = tpu.memref_slice %arg11[%dma_start3A_39, %dma_start3A_40] : memref<320x128xf32, #tpu.memory_space<vmem>> -> memref<64x128xf32, #tpu.memory_space<vmem>>
    %dma_start3A_42 = arith.constant 256 : i32
    %dma_start3A_43 = tpu.memref_slice %arg7[%dma_start3A_42] : memref<320xi32, #tpu.memory_space<vmem>> -> memref<64xi32, #tpu.memory_space<vmem>>
    %dma_start3A_44 = arith.constant 0 : i32
    %dma_start3A_45 = arith.constant 0 : i32
    %dma_start3A_46 = tpu.memref_slice %arg2[%dma_start3A_44, %dma_start3A_45] : memref<1000000x128xf32, #tpu.memory_space<hbm>> -> memref<1000000x128xf32, #tpu.memory_space<hbm>>
    tpu.enqueue_indirect_dma source(%dma_start3A_46 : memref<1000000x128xf32, #tpu.memory_space<hbm>>) target(%dma_start3A_41 : memref<64x128xf32, #tpu.memory_space<vmem>>) offsets(%dma_start3A_43 : memref<64xi32, #tpu.memory_space<vmem>>) semaphore(%arg14 : memref<!tpu.dma_semaphore, #tpu.memory_space<semaphore_mem>>)
    %dma_wait3A_47 = arith.constant 0 : i32
    %dma_wait3A_48 = arith.constant 0 : i32
    %dma_wait3A_49 = tpu.memref_slice %arg11[%dma_wait3A_47, %dma_wait3A_48] : memref<320x128xf32, #tpu.memory_space<vmem>> -> memref<128x128xf32, #tpu.memory_space<vmem>>
    %dma_wait3A_50 = arith.constant 0 : i32
    %dma_wait3A_51 = tpu.memref_slice %arg7[%dma_wait3A_50] : memref<320xi32, #tpu.memory_space<vmem>> -> memref<128xi32, #tpu.memory_space<vmem>>
    %dma_wait3A_52 = arith.constant 0 : i32
    %dma_wait3A_53 = arith.constant 0 : i32
    %dma_wait3A_54 = tpu.memref_slice %arg2[%dma_wait3A_52, %dma_wait3A_53] : memref<1000000x128xf32, #tpu.memory_space<hbm>> -> memref<1000000x128xf32, #tpu.memory_space<hbm>>
    tpu.wait_indirect_dma semaphore(%arg14 : memref<!tpu.dma_semaphore, #tpu.memory_space<semaphore_mem>>) src(%dma_wait3A_54 : memref<1000000x128xf32, #tpu.memory_space<hbm>>) dst(%dma_wait3A_49 : memref<128x128xf32, #tpu.memory_space<vmem>>)
    %dma_wait3A_55 = arith.constant 128 : i32
    %dma_wait3A_56 = arith.constant 0 : i32
    %dma_wait3A_57 = tpu.memref_slice %arg11[%dma_wait3A_55, %dma_wait3A_56] : memref<320x128xf32, #tpu.memory_space<vmem>> -> memref<128x128xf32, #tpu.memory_space<vmem>>
    %dma_wait3A_58 = arith.constant 128 : i32
    %dma_wait3A_59 = tpu.memref_slice %arg7[%dma_wait3A_58] : memref<320xi32, #tpu.memory_space<vmem>> -> memref<128xi32, #tpu.memory_space<vmem>>
    %dma_wait3A_60 = arith.constant 0 : i32
    %dma_wait3A_61 = arith.constant 0 : i32
    %dma_wait3A_62 = tpu.memref_slice %arg2[%dma_wait3A_60, %dma_wait3A_61] : memref<1000000x128xf32, #tpu.memory_space<hbm>> -> memref<1000000x128xf32, #tpu.memory_space<hbm>>
    tpu.wait_indirect_dma semaphore(%arg14 : memref<!tpu.dma_semaphore, #tpu.memory_space<semaphore_mem>>) src(%dma_wait3A_62 : memref<1000000x128xf32, #tpu.memory_space<hbm>>) dst(%dma_wait3A_57 : memref<128x128xf32, #tpu.memory_space<vmem>>)
    %dma_wait3A_63 = arith.constant 256 : i32
    %dma_wait3A_64 = arith.constant 0 : i32
    %dma_wait3A_65 = tpu.memref_slice %arg11[%dma_wait3A_63, %dma_wait3A_64] : memref<320x128xf32, #tpu.memory_space<vmem>> -> memref<64x128xf32, #tpu.memory_space<vmem>>
    %dma_wait3A_66 = arith.constant 256 : i32
    %dma_wait3A_67 = tpu.memref_slice %arg7[%dma_wait3A_66] : memref<320xi32, #tpu.memory_space<vmem>> -> memref<64xi32, #tpu.memory_space<vmem>>
    %dma_wait3A_68 = arith.constant 0 : i32
    %dma_wait3A_69 = arith.constant 0 : i32
    %dma_wait3A_70 = tpu.memref_slice %arg2[%dma_wait3A_68, %dma_wait3A_69] : memref<1000000x128xf32, #tpu.memory_space<hbm>> -> memref<1000000x128xf32, #tpu.memory_space<hbm>>
    tpu.wait_indirect_dma semaphore(%arg14 : memref<!tpu.dma_semaphore, #tpu.memory_space<semaphore_mem>>) src(%dma_wait3A_70 : memref<1000000x128xf32, #tpu.memory_space<hbm>>) dst(%dma_wait3A_65 : memref<64x128xf32, #tpu.memory_space<vmem>>)
    %dma_wait3A_71 = arith.constant 0 : i32
    %dma_wait3A_72 = tpu.memref_slice %arg4[%dma_wait3A_71] : memref<819200xi32, #tpu.memory_space<hbm>> -> memref<320xi32, #tpu.memory_space<hbm>>
    %dma_wait3A_73 = arith.constant 0 : i32
    %dma_wait3A_74 = tpu.memref_slice %arg4[%dma_wait3A_73] : memref<819200xi32, #tpu.memory_space<hbm>> -> memref<320xi32, #tpu.memory_space<hbm>>
    tpu.wait_dma2 semaphore(%arg21 : memref<!tpu.dma_semaphore, #tpu.memory_space<semaphore_mem>>) src(%dma_wait3A_74 : memref<320xi32, #tpu.memory_space<hbm>>) dst(%arg8 : memref<320xi32, #tpu.memory_space<vmem>>)
    %dma_wait3A_75 = arith.constant 0 : i32
    %dma_wait3A_76 = tpu.memref_slice %arg5[%dma_wait3A_75] : memref<819200xi32, #tpu.memory_space<hbm>> -> memref<320xi32, #tpu.memory_space<hbm>>
    %dma_wait3A_77 = arith.constant 0 : i32
    %dma_wait3A_78 = tpu.memref_slice %arg5[%dma_wait3A_77] : memref<819200xi32, #tpu.memory_space<hbm>> -> memref<320xi32, #tpu.memory_space<hbm>>
    tpu.wait_dma2 semaphore(%arg21 : memref<!tpu.dma_semaphore, #tpu.memory_space<semaphore_mem>>) src(%dma_wait3A_78 : memref<320xi32, #tpu.memory_space<hbm>>) dst(%arg10 : memref<320xi32, #tpu.memory_space<vmem>>)
    %dma_start3A_79 = arith.constant 0 : i32
    %dma_start3A_80 = arith.constant 0 : i32
    %dma_start3A_81 = tpu.memref_slice %arg12[%dma_start3A_79, %dma_start3A_80] : memref<320x128xf32, #tpu.memory_space<vmem>> -> memref<128x128xf32, #tpu.memory_space<vmem>>
    %dma_start3A_82 = arith.constant 0 : i32
    %dma_start3A_83 = tpu.memref_slice %arg8[%dma_start3A_82] : memref<320xi32, #tpu.memory_space<vmem>> -> memref<128xi32, #tpu.memory_space<vmem>>
    %dma_start3A_84 = arith.constant 0 : i32
    %dma_start3A_85 = arith.constant 0 : i32
    %dma_start3A_86 = tpu.memref_slice %arg2[%dma_start3A_84, %dma_start3A_85] : memref<1000000x128xf32, #tpu.memory_space<hbm>> -> memref<1000000x128xf32, #tpu.memory_space<hbm>>
    tpu.enqueue_indirect_dma source(%dma_start3A_86 : memref<1000000x128xf32, #tpu.memory_space<hbm>>) target(%dma_start3A_81 : memref<128x128xf32, #tpu.memory_space<vmem>>) offsets(%dma_start3A_83 : memref<128xi32, #tpu.memory_space<vmem>>) semaphore(%arg15 : memref<!tpu.dma_semaphore, #tpu.memory_space<semaphore_mem>>)
    %dma_start3A_87 = arith.constant 128 : i32
    %dma_start3A_88 = arith.constant 0 : i32
    %dma_start3A_89 = tpu.memref_slice %arg12[%dma_start3A_87, %dma_start3A_88] : memref<320x128xf32, #tpu.memory_space<vmem>> -> memref<128x128xf32, #tpu.memory_space<vmem>>
    %dma_start3A_90 = arith.constant 128 : i32
    %dma_start3A_91 = tpu.memref_slice %arg8[%dma_start3A_90] : memref<320xi32, #tpu.memory_space<vmem>> -> memref<128xi32, #tpu.memory_space<vmem>>
    %dma_start3A_92 = arith.constant 0 : i32
    %dma_start3A_93 = arith.constant 0 : i32
    %dma_start3A_94 = tpu.memref_slice %arg2[%dma_start3A_92, %dma_start3A_93] : memref<1000000x128xf32, #tpu.memory_space<hbm>> -> memref<1000000x128xf32, #tpu.memory_space<hbm>>
    tpu.enqueue_indirect_dma source(%dma_start3A_94 : memref<1000000x128xf32, #tpu.memory_space<hbm>>) target(%dma_start3A_89 : memref<128x128xf32, #tpu.memory_space<vmem>>) offsets(%dma_start3A_91 : memref<128xi32, #tpu.memory_space<vmem>>) semaphore(%arg15 : memref<!tpu.dma_semaphore, #tpu.memory_space<semaphore_mem>>)
    %dma_start3A_95 = arith.constant 256 : i32
    %dma_start3A_96 = arith.constant 0 : i32
    %dma_start3A_97 = tpu.memref_slice %arg12[%dma_start3A_95, %dma_start3A_96] : memref<320x128xf32, #tpu.memory_space<vmem>> -> memref<64x128xf32, #tpu.memory_space<vmem>>
    %dma_start3A_98 = arith.constant 256 : i32
    %dma_start3A_99 = tpu.memref_slice %arg8[%dma_start3A_98] : memref<320xi32, #tpu.memory_space<vmem>> -> memref<64xi32, #tpu.memory_space<vmem>>
    %dma_start3A_100 = arith.constant 0 : i32
    %dma_start3A_101 = arith.constant 0 : i32
    %dma_start3A_102 = tpu.memref_slice %arg2[%dma_start3A_100, %dma_start3A_101] : memref<1000000x128xf32, #tpu.memory_space<hbm>> -> memref<1000000x128xf32, #tpu.memory_space<hbm>>
    tpu.enqueue_indirect_dma source(%dma_start3A_102 : memref<1000000x128xf32, #tpu.memory_space<hbm>>) target(%dma_start3A_97 : memref<64x128xf32, #tpu.memory_space<vmem>>) offsets(%dma_start3A_99 : memref<64xi32, #tpu.memory_space<vmem>>) semaphore(%arg15 : memref<!tpu.dma_semaphore, #tpu.memory_space<semaphore_mem>>)
    %dma_start3A_103 = arith.constant 0 : i32
    %dma_start3A_104 = arith.constant 0 : i32
    %dma_start3A_105 = tpu.memref_slice %arg11[%dma_start3A_103, %dma_start3A_104] : memref<320x128xf32, #tpu.memory_space<vmem>> -> memref<128x128xf32, #tpu.memory_space<vmem>>
    %dma_start3A_106 = arith.constant 0 : i32
    %dma_start3A_107 = tpu.memref_slice %arg9[%dma_start3A_106] : memref<320xi32, #tpu.memory_space<vmem>> -> memref<128xi32, #tpu.memory_space<vmem>>
    %dma_start3A_108 = arith.constant 0 : i32
    %dma_start3A_109 = arith.constant 0 : i32
    %dma_start3A_110 = tpu.memref_slice %arg13[%dma_start3A_108, %dma_start3A_109] : memref<600x128xf32, #tpu.memory_space<vmem_shared>> -> memref<600x128xf32, #tpu.memory_space<vmem_shared>>
    tpu.enqueue_indirect_dma source(%dma_start3A_110 : memref<600x128xf32, #tpu.memory_space<vmem_shared>>) target(%dma_start3A_105 : memref<128x128xf32, #tpu.memory_space<vmem>>) offsets(%dma_start3A_107 : memref<128xi32, #tpu.memory_space<vmem>>) semaphore(%arg16 : memref<!tpu.dma_semaphore, #tpu.memory_space<semaphore_mem>>) {add = true}
    %dma_start3A_111 = arith.constant 128 : i32
    %dma_start3A_112 = arith.constant 0 : i32
    %dma_start3A_113 = tpu.memref_slice %arg11[%dma_start3A_111, %dma_start3A_112] : memref<320x128xf32, #tpu.memory_space<vmem>> -> memref<128x128xf32, #tpu.memory_space<vmem>>
    %dma_start3A_114 = arith.constant 128 : i32
    %dma_start3A_115 = tpu.memref_slice %arg9[%dma_start3A_114] : memref<320xi32, #tpu.memory_space<vmem>> -> memref<128xi32, #tpu.memory_space<vmem>>
    %dma_start3A_116 = arith.constant 0 : i32
    %dma_start3A_117 = arith.constant 0 : i32
    %dma_start3A_118 = tpu.memref_slice %arg13[%dma_start3A_116, %dma_start3A_117] : memref<600x128xf32, #tpu.memory_space<vmem_shared>> -> memref<600x128xf32, #tpu.memory_space<vmem_shared>>
    tpu.enqueue_indirect_dma source(%dma_start3A_118 : memref<600x128xf32, #tpu.memory_space<vmem_shared>>) target(%dma_start3A_113 : memref<128x128xf32, #tpu.memory_space<vmem>>) offsets(%dma_start3A_115 : memref<128xi32, #tpu.memory_space<vmem>>) semaphore(%arg16 : memref<!tpu.dma_semaphore, #tpu.memory_space<semaphore_mem>>) {add = true}
    %dma_start3A_119 = arith.constant 256 : i32
    %dma_start3A_120 = arith.constant 0 : i32
    %dma_start3A_121 = tpu.memref_slice %arg11[%dma_start3A_119, %dma_start3A_120] : memref<320x128xf32, #tpu.memory_space<vmem>> -> memref<64x128xf32, #tpu.memory_space<vmem>>
    %dma_start3A_122 = arith.constant 256 : i32
    %dma_start3A_123 = tpu.memref_slice %arg9[%dma_start3A_122] : memref<320xi32, #tpu.memory_space<vmem>> -> memref<64xi32, #tpu.memory_space<vmem>>
    %dma_start3A_124 = arith.constant 0 : i32
    %dma_start3A_125 = arith.constant 0 : i32
    %dma_start3A_126 = tpu.memref_slice %arg13[%dma_start3A_124, %dma_start3A_125] : memref<600x128xf32, #tpu.memory_space<vmem_shared>> -> memref<600x128xf32, #tpu.memory_space<vmem_shared>>
    tpu.enqueue_indirect_dma source(%dma_start3A_126 : memref<600x128xf32, #tpu.memory_space<vmem_shared>>) target(%dma_start3A_121 : memref<64x128xf32, #tpu.memory_space<vmem>>) offsets(%dma_start3A_123 : memref<64xi32, #tpu.memory_space<vmem>>) semaphore(%arg16 : memref<!tpu.dma_semaphore, #tpu.memory_space<semaphore_mem>>) {add = true}
    %dma_wait3A_127 = arith.constant 0 : i32
    %dma_wait3A_128 = arith.constant 0 : i32
    %dma_wait3A_129 = tpu.memref_slice %arg11[%dma_wait3A_127, %dma_wait3A_128] : memref<320x128xf32, #tpu.memory_space<vmem>> -> memref<128x128xf32, #tpu.memory_space<vmem>>
    %dma_wait3A_130 = arith.constant 0 : i32
    %dma_wait3A_131 = tpu.memref_slice %arg9[%dma_wait3A_130] : memref<320xi32, #tpu.memory_space<vmem>> -> memref<128xi32, #tpu.memory_space<vmem>>
    %dma_wait3A_132 = arith.constant 0 : i32
    %dma_wait3A_133 = arith.constant 0 : i32
    %dma_wait3A_134 = tpu.memref_slice %arg13[%dma_wait3A_132, %dma_wait3A_133] : memref<600x128xf32, #tpu.memory_space<vmem_shared>> -> memref<600x128xf32, #tpu.memory_space<vmem_shared>>
    tpu.wait_indirect_dma semaphore(%arg16 : memref<!tpu.dma_semaphore, #tpu.memory_space<semaphore_mem>>) src(%dma_wait3A_134 : memref<600x128xf32, #tpu.memory_space<vmem_shared>>) dst(%dma_wait3A_129 : memref<128x128xf32, #tpu.memory_space<vmem>>)
    %dma_wait3A_135 = arith.constant 128 : i32
    %dma_wait3A_136 = arith.constant 0 : i32
    %dma_wait3A_137 = tpu.memref_slice %arg11[%dma_wait3A_135, %dma_wait3A_136] : memref<320x128xf32, #tpu.memory_space<vmem>> -> memref<128x128xf32, #tpu.memory_space<vmem>>
    %dma_wait3A_138 = arith.constant 128 : i32
    %dma_wait3A_139 = tpu.memref_slice %arg9[%dma_wait3A_138] : memref<320xi32, #tpu.memory_space<vmem>> -> memref<128xi32, #tpu.memory_space<vmem>>
    %dma_wait3A_140 = arith.constant 0 : i32
    %dma_wait3A_141 = arith.constant 0 : i32
    %dma_wait3A_142 = tpu.memref_slice %arg13[%dma_wait3A_140, %dma_wait3A_141] : memref<600x128xf32, #tpu.memory_space<vmem_shared>> -> memref<600x128xf32, #tpu.memory_space<vmem_shared>>
    tpu.wait_indirect_dma semaphore(%arg16 : memref<!tpu.dma_semaphore, #tpu.memory_space<semaphore_mem>>) src(%dma_wait3A_142 : memref<600x128xf32, #tpu.memory_space<vmem_shared>>) dst(%dma_wait3A_137 : memref<128x128xf32, #tpu.memory_space<vmem>>)
    %dma_wait3A_143 = arith.constant 256 : i32
    %dma_wait3A_144 = arith.constant 0 : i32
    %dma_wait3A_145 = tpu.memref_slice %arg11[%dma_wait3A_143, %dma_wait3A_144] : memref<320x128xf32, #tpu.memory_space<vmem>> -> memref<64x128xf32, #tpu.memory_space<vmem>>
    %dma_wait3A_146 = arith.constant 256 : i32
    %dma_wait3A_147 = tpu.memref_slice %arg9[%dma_wait3A_146] : memref<320xi32, #tpu.memory_space<vmem>> -> memref<64xi32, #tpu.memory_space<vmem>>
    %dma_wait3A_148 = arith.constant 0 : i32
    %dma_wait3A_149 = arith.constant 0 : i32
    %dma_wait3A_150 = tpu.memref_slice %arg13[%dma_wait3A_148, %dma_wait3A_149] : memref<600x128xf32, #tpu.memory_space<vmem_shared>> -> memref<600x128xf32, #tpu.memory_space<vmem_shared>>
    tpu.wait_indirect_dma semaphore(%arg16 : memref<!tpu.dma_semaphore, #tpu.memory_space<semaphore_mem>>) src(%dma_wait3A_150 : memref<600x128xf32, #tpu.memory_space<vmem_shared>>) dst(%dma_wait3A_145 : memref<64x128xf32, #tpu.memory_space<vmem>>)
    %add3A_151 = arith.constant 640 : i32
    %add3A_152 = arith.addi %mul3A_2, %add3A_151 : i32
    %dma_start3A_153 = tpu.memref_slice %arg4[%add3A_152] : memref<819200xi32, #tpu.memory_space<hbm>> -> memref<320xi32, #tpu.memory_space<hbm>>
    %dma_start3A_154 = tpu.memref_slice %arg4[%add3A_152] : memref<819200xi32, #tpu.memory_space<hbm>> -> memref<320xi32, #tpu.memory_space<hbm>>
    tpu.enqueue_dma source(%dma_start3A_154 : memref<320xi32, #tpu.memory_space<hbm>>) target(%arg7 : memref<320xi32, #tpu.memory_space<vmem>>) target_semaphore(%arg20 : memref<!tpu.dma_semaphore, #tpu.memory_space<semaphore_mem>>)
    %dma_start3A_155 = tpu.memref_slice %arg5[%add3A_152] : memref<819200xi32, #tpu.memory_space<hbm>> -> memref<320xi32, #tpu.memory_space<hbm>>
    %dma_start3A_156 = tpu.memref_slice %arg5[%add3A_152] : memref<819200xi32, #tpu.memory_space<hbm>> -> memref<320xi32, #tpu.memory_space<hbm>>
    tpu.enqueue_dma source(%dma_start3A_156 : memref<320xi32, #tpu.memory_space<hbm>>) target(%arg9 : memref<320xi32, #tpu.memory_space<vmem>>) target_semaphore(%arg20 : memref<!tpu.dma_semaphore, #tpu.memory_space<semaphore_mem>>)
    %add3A_157 = arith.constant 0 : i32
    %add3A_158 = arith.addi %mul3A_2, %add3A_157 : i32
    %dma_start3A_159 = arith.constant 0 : i32
    %dma_start3A_160 = tpu.memref_slice %arg6[%add3A_158, %dma_start3A_159] : memref<819200x128xf32, #tpu.memory_space<hbm>> -> memref<320x128xf32, #tpu.memory_space<hbm>>
    %dma_start3A_161 = arith.constant 0 : i32
    %dma_start3A_162 = tpu.memref_slice %arg6[%add3A_158, %dma_start3A_161] : memref<819200x128xf32, #tpu.memory_space<hbm>> -> memref<320x128xf32, #tpu.memory_space<hbm>>
    tpu.enqueue_dma source(%arg11 : memref<320x128xf32, #tpu.memory_space<vmem>>) target(%dma_start3A_162 : memref<320x128xf32, #tpu.memory_space<hbm>>) target_semaphore(%arg18 : memref<!tpu.dma_semaphore, #tpu.memory_space<semaphore_mem>>)
    %scan3A = arith.constant 0 : i32
    %scan3A_163 = arith.constant 39 : i32
    %scan3A_164 = arith.addi %scan3A, %scan3A_163 : i32
    %scan3A_165 = arith.constant 1 : i32
    scf.for %scan3A_257 = %scan3A to %scan3A_164 step %scan3A_165  : i32 {
      %mul3A_258 = arith.constant 2 : i32
      %mul3A_259 = arith.muli %scan3A_257, %mul3A_258 : i32
      %add3A_260 = arith.constant 1 : i32
      %add3A_261 = arith.addi %add3A_260, %mul3A_259 : i32
      %dma_wait3A_262 = arith.constant 0 : i32
      %dma_wait3A_263 = arith.constant 0 : i32
      %dma_wait3A_264 = tpu.memref_slice %arg12[%dma_wait3A_262, %dma_wait3A_263] : memref<320x128xf32, #tpu.memory_space<vmem>> -> memref<128x128xf32, #tpu.memory_space<vmem>>
      %dma_wait3A_265 = arith.constant 0 : i32
      %dma_wait3A_266 = tpu.memref_slice %arg8[%dma_wait3A_265] : memref<320xi32, #tpu.memory_space<vmem>> -> memref<128xi32, #tpu.memory_space<vmem>>
      %dma_wait3A_267 = arith.constant 0 : i32
      %dma_wait3A_268 = arith.constant 0 : i32
      %dma_wait3A_269 = tpu.memref_slice %arg2[%dma_wait3A_267, %dma_wait3A_268] : memref<1000000x128xf32, #tpu.memory_space<hbm>> -> memref<1000000x128xf32, #tpu.memory_space<hbm>>
      tpu.wait_indirect_dma semaphore(%arg15 : memref<!tpu.dma_semaphore, #tpu.memory_space<semaphore_mem>>) src(%dma_wait3A_269 : memref<1000000x128xf32, #tpu.memory_space<hbm>>) dst(%dma_wait3A_264 : memref<128x128xf32, #tpu.memory_space<vmem>>)
      %dma_wait3A_270 = arith.constant 128 : i32
      %dma_wait3A_271 = arith.constant 0 : i32
      %dma_wait3A_272 = tpu.memref_slice %arg12[%dma_wait3A_270, %dma_wait3A_271] : memref<320x128xf32, #tpu.memory_space<vmem>> -> memref<128x128xf32, #tpu.memory_space<vmem>>
      %dma_wait3A_273 = arith.constant 128 : i32
      %dma_wait3A_274 = tpu.memref_slice %arg8[%dma_wait3A_273] : memref<320xi32, #tpu.memory_space<vmem>> -> memref<128xi32, #tpu.memory_space<vmem>>
      %dma_wait3A_275 = arith.constant 0 : i32
      %dma_wait3A_276 = arith.constant 0 : i32
      %dma_wait3A_277 = tpu.memref_slice %arg2[%dma_wait3A_275, %dma_wait3A_276] : memref<1000000x128xf32, #tpu.memory_space<hbm>> -> memref<1000000x128xf32, #tpu.memory_space<hbm>>
      tpu.wait_indirect_dma semaphore(%arg15 : memref<!tpu.dma_semaphore, #tpu.memory_space<semaphore_mem>>) src(%dma_wait3A_277 : memref<1000000x128xf32, #tpu.memory_space<hbm>>) dst(%dma_wait3A_272 : memref<128x128xf32, #tpu.memory_space<vmem>>)
      %dma_wait3A_278 = arith.constant 256 : i32
      %dma_wait3A_279 = arith.constant 0 : i32
      %dma_wait3A_280 = tpu.memref_slice %arg12[%dma_wait3A_278, %dma_wait3A_279] : memref<320x128xf32, #tpu.memory_space<vmem>> -> memref<64x128xf32, #tpu.memory_space<vmem>>
      %dma_wait3A_281 = arith.constant 256 : i32
      %dma_wait3A_282 = tpu.memref_slice %arg8[%dma_wait3A_281] : memref<320xi32, #tpu.memory_space<vmem>> -> memref<64xi32, #tpu.memory_space<vmem>>
      %dma_wait3A_283 = arith.constant 0 : i32
      %dma_wait3A_284 = arith.constant 0 : i32
      %dma_wait3A_285 = tpu.memref_slice %arg2[%dma_wait3A_283, %dma_wait3A_284] : memref<1000000x128xf32, #tpu.memory_space<hbm>> -> memref<1000000x128xf32, #tpu.memory_space<hbm>>
      tpu.wait_indirect_dma semaphore(%arg15 : memref<!tpu.dma_semaphore, #tpu.memory_space<semaphore_mem>>) src(%dma_wait3A_285 : memref<1000000x128xf32, #tpu.memory_space<hbm>>) dst(%dma_wait3A_280 : memref<64x128xf32, #tpu.memory_space<vmem>>)
      %dma_wait3A_286 = arith.constant 0 : i32
      %dma_wait3A_287 = arith.constant 0 : i32
      %dma_wait3A_288 = tpu.memref_slice %arg6[%dma_wait3A_286, %dma_wait3A_287] : memref<819200x128xf32, #tpu.memory_space<hbm>> -> memref<320x128xf32, #tpu.memory_space<hbm>>
      %dma_wait3A_289 = arith.constant 0 : i32
      %dma_wait3A_290 = arith.constant 0 : i32
      %dma_wait3A_291 = tpu.memref_slice %arg6[%dma_wait3A_289, %dma_wait3A_290] : memref<819200x128xf32, #tpu.memory_space<hbm>> -> memref<320x128xf32, #tpu.memory_space<hbm>>
      tpu.wait_dma2 semaphore(%arg18 : memref<!tpu.dma_semaphore, #tpu.memory_space<semaphore_mem>>) src(%arg11 : memref<320x128xf32, #tpu.memory_space<vmem>>) dst(%dma_wait3A_291 : memref<320x128xf32, #tpu.memory_space<hbm>>)
      %dma_wait3A_292 = arith.constant 0 : i32
      %dma_wait3A_293 = tpu.memref_slice %arg4[%dma_wait3A_292] : memref<819200xi32, #tpu.memory_space<hbm>> -> memref<320xi32, #tpu.memory_space<hbm>>
      %dma_wait3A_294 = arith.constant 0 : i32
      %dma_wait3A_295 = tpu.memref_slice %arg4[%dma_wait3A_294] : memref<819200xi32, #tpu.memory_space<hbm>> -> memref<320xi32, #tpu.memory_space<hbm>>
      tpu.wait_dma2 semaphore(%arg20 : memref<!tpu.dma_semaphore, #tpu.memory_space<semaphore_mem>>) src(%dma_wait3A_295 : memref<320xi32, #tpu.memory_space<hbm>>) dst(%arg7 : memref<320xi32, #tpu.memory_space<vmem>>)
      %dma_wait3A_296 = arith.constant 0 : i32
      %dma_wait3A_297 = tpu.memref_slice %arg5[%dma_wait3A_296] : memref<819200xi32, #tpu.memory_space<hbm>> -> memref<320xi32, #tpu.memory_space<hbm>>
      %dma_wait3A_298 = arith.constant 0 : i32
      %dma_wait3A_299 = tpu.memref_slice %arg5[%dma_wait3A_298] : memref<819200xi32, #tpu.memory_space<hbm>> -> memref<320xi32, #tpu.memory_space<hbm>>
      tpu.wait_dma2 semaphore(%arg20 : memref<!tpu.dma_semaphore, #tpu.memory_space<semaphore_mem>>) src(%dma_wait3A_299 : memref<320xi32, #tpu.memory_space<hbm>>) dst(%arg9 : memref<320xi32, #tpu.memory_space<vmem>>)
      %dma_start3A_300 = arith.constant 0 : i32
      %dma_start3A_301 = arith.constant 0 : i32
      %dma_start3A_302 = tpu.memref_slice %arg11[%dma_start3A_300, %dma_start3A_301] : memref<320x128xf32, #tpu.memory_space<vmem>> -> memref<128x128xf32, #tpu.memory_space<vmem>>
      %dma_start3A_303 = arith.constant 0 : i32
      %dma_start3A_304 = tpu.memref_slice %arg7[%dma_start3A_303] : memref<320xi32, #tpu.memory_space<vmem>> -> memref<128xi32, #tpu.memory_space<vmem>>
      %dma_start3A_305 = arith.constant 0 : i32
      %dma_start3A_306 = arith.constant 0 : i32
      %dma_start3A_307 = tpu.memref_slice %arg2[%dma_start3A_305, %dma_start3A_306] : memref<1000000x128xf32, #tpu.memory_space<hbm>> -> memref<1000000x128xf32, #tpu.memory_space<hbm>>
      tpu.enqueue_indirect_dma source(%dma_start3A_307 : memref<1000000x128xf32, #tpu.memory_space<hbm>>) target(%dma_start3A_302 : memref<128x128xf32, #tpu.memory_space<vmem>>) offsets(%dma_start3A_304 : memref<128xi32, #tpu.memory_space<vmem>>) semaphore(%arg14 : memref<!tpu.dma_semaphore, #tpu.memory_space<semaphore_mem>>)
      %dma_start3A_308 = arith.constant 128 : i32
      %dma_start3A_309 = arith.constant 0 : i32
      %dma_start3A_310 = tpu.memref_slice %arg11[%dma_start3A_308, %dma_start3A_309] : memref<320x128xf32, #tpu.memory_space<vmem>> -> memref<128x128xf32, #tpu.memory_space<vmem>>
      %dma_start3A_311 = arith.constant 128 : i32
      %dma_start3A_312 = tpu.memref_slice %arg7[%dma_start3A_311] : memref<320xi32, #tpu.memory_space<vmem>> -> memref<128xi32, #tpu.memory_space<vmem>>
      %dma_start3A_313 = arith.constant 0 : i32
      %dma_start3A_314 = arith.constant 0 : i32
      %dma_start3A_315 = tpu.memref_slice %arg2[%dma_start3A_313, %dma_start3A_314] : memref<1000000x128xf32, #tpu.memory_space<hbm>> -> memref<1000000x128xf32, #tpu.memory_space<hbm>>
      tpu.enqueue_indirect_dma source(%dma_start3A_315 : memref<1000000x128xf32, #tpu.memory_space<hbm>>) target(%dma_start3A_310 : memref<128x128xf32, #tpu.memory_space<vmem>>) offsets(%dma_start3A_312 : memref<128xi32, #tpu.memory_space<vmem>>) semaphore(%arg14 : memref<!tpu.dma_semaphore, #tpu.memory_space<semaphore_mem>>)
      %dma_start3A_316 = arith.constant 256 : i32
      %dma_start3A_317 = arith.constant 0 : i32
      %dma_start3A_318 = tpu.memref_slice %arg11[%dma_start3A_316, %dma_start3A_317] : memref<320x128xf32, #tpu.memory_space<vmem>> -> memref<64x128xf32, #tpu.memory_space<vmem>>
      %dma_start3A_319 = arith.constant 256 : i32
      %dma_start3A_320 = tpu.memref_slice %arg7[%dma_start3A_319] : memref<320xi32, #tpu.memory_space<vmem>> -> memref<64xi32, #tpu.memory_space<vmem>>
      %dma_start3A_321 = arith.constant 0 : i32
      %dma_start3A_322 = arith.constant 0 : i32
      %dma_start3A_323 = tpu.memref_slice %arg2[%dma_start3A_321, %dma_start3A_322] : memref<1000000x128xf32, #tpu.memory_space<hbm>> -> memref<1000000x128xf32, #tpu.memory_space<hbm>>
      tpu.enqueue_indirect_dma source(%dma_start3A_323 : memref<1000000x128xf32, #tpu.memory_space<hbm>>) target(%dma_start3A_318 : memref<64x128xf32, #tpu.memory_space<vmem>>) offsets(%dma_start3A_320 : memref<64xi32, #tpu.memory_space<vmem>>) semaphore(%arg14 : memref<!tpu.dma_semaphore, #tpu.memory_space<semaphore_mem>>)
      %dma_start3A_324 = arith.constant 0 : i32
      %dma_start3A_325 = arith.constant 0 : i32
      %dma_start3A_326 = tpu.memref_slice %arg12[%dma_start3A_324, %dma_start3A_325] : memref<320x128xf32, #tpu.memory_space<vmem>> -> memref<128x128xf32, #tpu.memory_space<vmem>>
      %dma_start3A_327 = arith.constant 0 : i32
      %dma_start3A_328 = tpu.memref_slice %arg10[%dma_start3A_327] : memref<320xi32, #tpu.memory_space<vmem>> -> memref<128xi32, #tpu.memory_space<vmem>>
      %dma_start3A_329 = arith.constant 0 : i32
      %dma_start3A_330 = arith.constant 0 : i32
      %dma_start3A_331 = tpu.memref_slice %arg13[%dma_start3A_329, %dma_start3A_330] : memref<600x128xf32, #tpu.memory_space<vmem_shared>> -> memref<600x128xf32, #tpu.memory_space<vmem_shared>>
      tpu.enqueue_indirect_dma source(%dma_start3A_331 : memref<600x128xf32, #tpu.memory_space<vmem_shared>>) target(%dma_start3A_326 : memref<128x128xf32, #tpu.memory_space<vmem>>) offsets(%dma_start3A_328 : memref<128xi32, #tpu.memory_space<vmem>>) semaphore(%arg17 : memref<!tpu.dma_semaphore, #tpu.memory_space<semaphore_mem>>) {add = true}
      %dma_start3A_332 = arith.constant 128 : i32
      %dma_start3A_333 = arith.constant 0 : i32
      %dma_start3A_334 = tpu.memref_slice %arg12[%dma_start3A_332, %dma_start3A_333] : memref<320x128xf32, #tpu.memory_space<vmem>> -> memref<128x128xf32, #tpu.memory_space<vmem>>
      %dma_start3A_335 = arith.constant 128 : i32
      %dma_start3A_336 = tpu.memref_slice %arg10[%dma_start3A_335] : memref<320xi32, #tpu.memory_space<vmem>> -> memref<128xi32, #tpu.memory_space<vmem>>
      %dma_start3A_337 = arith.constant 0 : i32
      %dma_start3A_338 = arith.constant 0 : i32
      %dma_start3A_339 = tpu.memref_slice %arg13[%dma_start3A_337, %dma_start3A_338] : memref<600x128xf32, #tpu.memory_space<vmem_shared>> -> memref<600x128xf32, #tpu.memory_space<vmem_shared>>
      tpu.enqueue_indirect_dma source(%dma_start3A_339 : memref<600x128xf32, #tpu.memory_space<vmem_shared>>) target(%dma_start3A_334 : memref<128x128xf32, #tpu.memory_space<vmem>>) offsets(%dma_start3A_336 : memref<128xi32, #tpu.memory_space<vmem>>) semaphore(%arg17 : memref<!tpu.dma_semaphore, #tpu.memory_space<semaphore_mem>>) {add = true}
      %dma_start3A_340 = arith.constant 256 : i32
      %dma_start3A_341 = arith.constant 0 : i32
      %dma_start3A_342 = tpu.memref_slice %arg12[%dma_start3A_340, %dma_start3A_341] : memref<320x128xf32, #tpu.memory_space<vmem>> -> memref<64x128xf32, #tpu.memory_space<vmem>>
      %dma_start3A_343 = arith.constant 256 : i32
      %dma_start3A_344 = tpu.memref_slice %arg10[%dma_start3A_343] : memref<320xi32, #tpu.memory_space<vmem>> -> memref<64xi32, #tpu.memory_space<vmem>>
      %dma_start3A_345 = arith.constant 0 : i32
      %dma_start3A_346 = arith.constant 0 : i32
      %dma_start3A_347 = tpu.memref_slice %arg13[%dma_start3A_345, %dma_start3A_346] : memref<600x128xf32, #tpu.memory_space<vmem_shared>> -> memref<600x128xf32, #tpu.memory_space<vmem_shared>>
      tpu.enqueue_indirect_dma source(%dma_start3A_347 : memref<600x128xf32, #tpu.memory_space<vmem_shared>>) target(%dma_start3A_342 : memref<64x128xf32, #tpu.memory_space<vmem>>) offsets(%dma_start3A_344 : memref<64xi32, #tpu.memory_space<vmem>>) semaphore(%arg17 : memref<!tpu.dma_semaphore, #tpu.memory_space<semaphore_mem>>) {add = true}
      %dma_wait3A_348 = arith.constant 0 : i32
      %dma_wait3A_349 = arith.constant 0 : i32
      %dma_wait3A_350 = tpu.memref_slice %arg12[%dma_wait3A_348, %dma_wait3A_349] : memref<320x128xf32, #tpu.memory_space<vmem>> -> memref<128x128xf32, #tpu.memory_space<vmem>>
      %dma_wait3A_351 = arith.constant 0 : i32
      %dma_wait3A_352 = tpu.memref_slice %arg10[%dma_wait3A_351] : memref<320xi32, #tpu.memory_space<vmem>> -> memref<128xi32, #tpu.memory_space<vmem>>
      %dma_wait3A_353 = arith.constant 0 : i32
      %dma_wait3A_354 = arith.constant 0 : i32
      %dma_wait3A_355 = tpu.memref_slice %arg13[%dma_wait3A_353, %dma_wait3A_354] : memref<600x128xf32, #tpu.memory_space<vmem_shared>> -> memref<600x128xf32, #tpu.memory_space<vmem_shared>>
      tpu.wait_indirect_dma semaphore(%arg17 : memref<!tpu.dma_semaphore, #tpu.memory_space<semaphore_mem>>) src(%dma_wait3A_355 : memref<600x128xf32, #tpu.memory_space<vmem_shared>>) dst(%dma_wait3A_350 : memref<128x128xf32, #tpu.memory_space<vmem>>)
      %dma_wait3A_356 = arith.constant 128 : i32
      %dma_wait3A_357 = arith.constant 0 : i32
      %dma_wait3A_358 = tpu.memref_slice %arg12[%dma_wait3A_356, %dma_wait3A_357] : memref<320x128xf32, #tpu.memory_space<vmem>> -> memref<128x128xf32, #tpu.memory_space<vmem>>
      %dma_wait3A_359 = arith.constant 128 : i32
      %dma_wait3A_360 = tpu.memref_slice %arg10[%dma_wait3A_359] : memref<320xi32, #tpu.memory_space<vmem>> -> memref<128xi32, #tpu.memory_space<vmem>>
      %dma_wait3A_361 = arith.constant 0 : i32
      %dma_wait3A_362 = arith.constant 0 : i32
      %dma_wait3A_363 = tpu.memref_slice %arg13[%dma_wait3A_361, %dma_wait3A_362] : memref<600x128xf32, #tpu.memory_space<vmem_shared>> -> memref<600x128xf32, #tpu.memory_space<vmem_shared>>
      tpu.wait_indirect_dma semaphore(%arg17 : memref<!tpu.dma_semaphore, #tpu.memory_space<semaphore_mem>>) src(%dma_wait3A_363 : memref<600x128xf32, #tpu.memory_space<vmem_shared>>) dst(%dma_wait3A_358 : memref<128x128xf32, #tpu.memory_space<vmem>>)
      %dma_wait3A_364 = arith.constant 256 : i32
      %dma_wait3A_365 = arith.constant 0 : i32
      %dma_wait3A_366 = tpu.memref_slice %arg12[%dma_wait3A_364, %dma_wait3A_365] : memref<320x128xf32, #tpu.memory_space<vmem>> -> memref<64x128xf32, #tpu.memory_space<vmem>>
      %dma_wait3A_367 = arith.constant 256 : i32
      %dma_wait3A_368 = tpu.memref_slice %arg10[%dma_wait3A_367] : memref<320xi32, #tpu.memory_space<vmem>> -> memref<64xi32, #tpu.memory_space<vmem>>
      %dma_wait3A_369 = arith.constant 0 : i32
      %dma_wait3A_370 = arith.constant 0 : i32
      %dma_wait3A_371 = tpu.memref_slice %arg13[%dma_wait3A_369, %dma_wait3A_370] : memref<600x128xf32, #tpu.memory_space<vmem_shared>> -> memref<600x128xf32, #tpu.memory_space<vmem_shared>>
      tpu.wait_indirect_dma semaphore(%arg17 : memref<!tpu.dma_semaphore, #tpu.memory_space<semaphore_mem>>) src(%dma_wait3A_371 : memref<600x128xf32, #tpu.memory_space<vmem_shared>>) dst(%dma_wait3A_366 : memref<64x128xf32, #tpu.memory_space<vmem>>)
      %add3A_372 = arith.constant 2 : i32
      %add3A_373 = arith.addi %add3A_261, %add3A_372 : i32
      %mul3A_374 = arith.constant 320 : i32
      %mul3A_375 = arith.muli %add3A_373, %mul3A_374 : i32
      %add3A_376 = arith.addi %mul3A_2, %mul3A_375 : i32
      %dma_start3A_377 = tpu.memref_slice %arg4[%add3A_376] : memref<819200xi32, #tpu.memory_space<hbm>> -> memref<320xi32, #tpu.memory_space<hbm>>
      %dma_start3A_378 = tpu.memref_slice %arg4[%add3A_376] : memref<819200xi32, #tpu.memory_space<hbm>> -> memref<320xi32, #tpu.memory_space<hbm>>
      tpu.enqueue_dma source(%dma_start3A_378 : memref<320xi32, #tpu.memory_space<hbm>>) target(%arg8 : memref<320xi32, #tpu.memory_space<vmem>>) target_semaphore(%arg21 : memref<!tpu.dma_semaphore, #tpu.memory_space<semaphore_mem>>)
      %dma_start3A_379 = tpu.memref_slice %arg5[%add3A_376] : memref<819200xi32, #tpu.memory_space<hbm>> -> memref<320xi32, #tpu.memory_space<hbm>>
      %dma_start3A_380 = tpu.memref_slice %arg5[%add3A_376] : memref<819200xi32, #tpu.memory_space<hbm>> -> memref<320xi32, #tpu.memory_space<hbm>>
      tpu.enqueue_dma source(%dma_start3A_380 : memref<320xi32, #tpu.memory_space<hbm>>) target(%arg10 : memref<320xi32, #tpu.memory_space<vmem>>) target_semaphore(%arg21 : memref<!tpu.dma_semaphore, #tpu.memory_space<semaphore_mem>>)
      %mul3A_381 = arith.constant 320 : i32
      %mul3A_382 = arith.muli %add3A_261, %mul3A_381 : i32
      %add3A_383 = arith.addi %mul3A_2, %mul3A_382 : i32
      %dma_start3A_384 = arith.constant 0 : i32
      %dma_start3A_385 = tpu.memref_slice %arg6[%add3A_383, %dma_start3A_384] : memref<819200x128xf32, #tpu.memory_space<hbm>> -> memref<320x128xf32, #tpu.memory_space<hbm>>
      %dma_start3A_386 = arith.constant 0 : i32
      %dma_start3A_387 = tpu.memref_slice %arg6[%add3A_383, %dma_start3A_386] : memref<819200x128xf32, #tpu.memory_space<hbm>> -> memref<320x128xf32, #tpu.memory_space<hbm>>
      tpu.enqueue_dma source(%arg12 : memref<320x128xf32, #tpu.memory_space<vmem>>) target(%dma_start3A_387 : memref<320x128xf32, #tpu.memory_space<hbm>>) target_semaphore(%arg19 : memref<!tpu.dma_semaphore, #tpu.memory_space<semaphore_mem>>)
      %dma_wait3A_388 = arith.constant 0 : i32
      %dma_wait3A_389 = arith.constant 0 : i32
      %dma_wait3A_390 = tpu.memref_slice %arg11[%dma_wait3A_388, %dma_wait3A_389] : memref<320x128xf32, #tpu.memory_space<vmem>> -> memref<128x128xf32, #tpu.memory_space<vmem>>
      %dma_wait3A_391 = arith.constant 0 : i32
      %dma_wait3A_392 = tpu.memref_slice %arg7[%dma_wait3A_391] : memref<320xi32, #tpu.memory_space<vmem>> -> memref<128xi32, #tpu.memory_space<vmem>>
      %dma_wait3A_393 = arith.constant 0 : i32
      %dma_wait3A_394 = arith.constant 0 : i32
      %dma_wait3A_395 = tpu.memref_slice %arg2[%dma_wait3A_393, %dma_wait3A_394] : memref<1000000x128xf32, #tpu.memory_space<hbm>> -> memref<1000000x128xf32, #tpu.memory_space<hbm>>
      tpu.wait_indirect_dma semaphore(%arg14 : memref<!tpu.dma_semaphore, #tpu.memory_space<semaphore_mem>>) src(%dma_wait3A_395 : memref<1000000x128xf32, #tpu.memory_space<hbm>>) dst(%dma_wait3A_390 : memref<128x128xf32, #tpu.memory_space<vmem>>)
      %dma_wait3A_396 = arith.constant 128 : i32
      %dma_wait3A_397 = arith.constant 0 : i32
      %dma_wait3A_398 = tpu.memref_slice %arg11[%dma_wait3A_396, %dma_wait3A_397] : memref<320x128xf32, #tpu.memory_space<vmem>> -> memref<128x128xf32, #tpu.memory_space<vmem>>
      %dma_wait3A_399 = arith.constant 128 : i32
      %dma_wait3A_400 = tpu.memref_slice %arg7[%dma_wait3A_399] : memref<320xi32, #tpu.memory_space<vmem>> -> memref<128xi32, #tpu.memory_space<vmem>>
      %dma_wait3A_401 = arith.constant 0 : i32
      %dma_wait3A_402 = arith.constant 0 : i32
      %dma_wait3A_403 = tpu.memref_slice %arg2[%dma_wait3A_401, %dma_wait3A_402] : memref<1000000x128xf32, #tpu.memory_space<hbm>> -> memref<1000000x128xf32, #tpu.memory_space<hbm>>
      tpu.wait_indirect_dma semaphore(%arg14 : memref<!tpu.dma_semaphore, #tpu.memory_space<semaphore_mem>>) src(%dma_wait3A_403 : memref<1000000x128xf32, #tpu.memory_space<hbm>>) dst(%dma_wait3A_398 : memref<128x128xf32, #tpu.memory_space<vmem>>)
      %dma_wait3A_404 = arith.constant 256 : i32
      %dma_wait3A_405 = arith.constant 0 : i32
      %dma_wait3A_406 = tpu.memref_slice %arg11[%dma_wait3A_404, %dma_wait3A_405] : memref<320x128xf32, #tpu.memory_space<vmem>> -> memref<64x128xf32, #tpu.memory_space<vmem>>
      %dma_wait3A_407 = arith.constant 256 : i32
      %dma_wait3A_408 = tpu.memref_slice %arg7[%dma_wait3A_407] : memref<320xi32, #tpu.memory_space<vmem>> -> memref<64xi32, #tpu.memory_space<vmem>>
      %dma_wait3A_409 = arith.constant 0 : i32
      %dma_wait3A_410 = arith.constant 0 : i32
      %dma_wait3A_411 = tpu.memref_slice %arg2[%dma_wait3A_409, %dma_wait3A_410] : memref<1000000x128xf32, #tpu.memory_space<hbm>> -> memref<1000000x128xf32, #tpu.memory_space<hbm>>
      tpu.wait_indirect_dma semaphore(%arg14 : memref<!tpu.dma_semaphore, #tpu.memory_space<semaphore_mem>>) src(%dma_wait3A_411 : memref<1000000x128xf32, #tpu.memory_space<hbm>>) dst(%dma_wait3A_406 : memref<64x128xf32, #tpu.memory_space<vmem>>)
      %dma_wait3A_412 = arith.constant 0 : i32
      %dma_wait3A_413 = arith.constant 0 : i32
      %dma_wait3A_414 = tpu.memref_slice %arg6[%dma_wait3A_412, %dma_wait3A_413] : memref<819200x128xf32, #tpu.memory_space<hbm>> -> memref<320x128xf32, #tpu.memory_space<hbm>>
      %dma_wait3A_415 = arith.constant 0 : i32
      %dma_wait3A_416 = arith.constant 0 : i32
      %dma_wait3A_417 = tpu.memref_slice %arg6[%dma_wait3A_415, %dma_wait3A_416] : memref<819200x128xf32, #tpu.memory_space<hbm>> -> memref<320x128xf32, #tpu.memory_space<hbm>>
      tpu.wait_dma2 semaphore(%arg19 : memref<!tpu.dma_semaphore, #tpu.memory_space<semaphore_mem>>) src(%arg12 : memref<320x128xf32, #tpu.memory_space<vmem>>) dst(%dma_wait3A_417 : memref<320x128xf32, #tpu.memory_space<hbm>>)
      %dma_wait3A_418 = arith.constant 0 : i32
      %dma_wait3A_419 = tpu.memref_slice %arg4[%dma_wait3A_418] : memref<819200xi32, #tpu.memory_space<hbm>> -> memref<320xi32, #tpu.memory_space<hbm>>
      %dma_wait3A_420 = arith.constant 0 : i32
      %dma_wait3A_421 = tpu.memref_slice %arg4[%dma_wait3A_420] : memref<819200xi32, #tpu.memory_space<hbm>> -> memref<320xi32, #tpu.memory_space<hbm>>
      tpu.wait_dma2 semaphore(%arg21 : memref<!tpu.dma_semaphore, #tpu.memory_space<semaphore_mem>>) src(%dma_wait3A_421 : memref<320xi32, #tpu.memory_space<hbm>>) dst(%arg8 : memref<320xi32, #tpu.memory_space<vmem>>)
      %dma_wait3A_422 = arith.constant 0 : i32
      %dma_wait3A_423 = tpu.memref_slice %arg5[%dma_wait3A_422] : memref<819200xi32, #tpu.memory_space<hbm>> -> memref<320xi32, #tpu.memory_space<hbm>>
      %dma_wait3A_424 = arith.constant 0 : i32
      %dma_wait3A_425 = tpu.memref_slice %arg5[%dma_wait3A_424] : memref<819200xi32, #tpu.memory_space<hbm>> -> memref<320xi32, #tpu.memory_space<hbm>>
      tpu.wait_dma2 semaphore(%arg21 : memref<!tpu.dma_semaphore, #tpu.memory_space<semaphore_mem>>) src(%dma_wait3A_425 : memref<320xi32, #tpu.memory_space<hbm>>) dst(%arg10 : memref<320xi32, #tpu.memory_space<vmem>>)
      %dma_start3A_426 = arith.constant 0 : i32
      %dma_start3A_427 = arith.constant 0 : i32
      %dma_start3A_428 = tpu.memref_slice %arg12[%dma_start3A_426, %dma_start3A_427] : memref<320x128xf32, #tpu.memory_space<vmem>> -> memref<128x128xf32, #tpu.memory_space<vmem>>
      %dma_start3A_429 = arith.constant 0 : i32
      %dma_start3A_430 = tpu.memref_slice %arg8[%dma_start3A_429] : memref<320xi32, #tpu.memory_space<vmem>> -> memref<128xi32, #tpu.memory_space<vmem>>
      %dma_start3A_431 = arith.constant 0 : i32
      %dma_start3A_432 = arith.constant 0 : i32
      %dma_start3A_433 = tpu.memref_slice %arg2[%dma_start3A_431, %dma_start3A_432] : memref<1000000x128xf32, #tpu.memory_space<hbm>> -> memref<1000000x128xf32, #tpu.memory_space<hbm>>
      tpu.enqueue_indirect_dma source(%dma_start3A_433 : memref<1000000x128xf32, #tpu.memory_space<hbm>>) target(%dma_start3A_428 : memref<128x128xf32, #tpu.memory_space<vmem>>) offsets(%dma_start3A_430 : memref<128xi32, #tpu.memory_space<vmem>>) semaphore(%arg15 : memref<!tpu.dma_semaphore, #tpu.memory_space<semaphore_mem>>)
      %dma_start3A_434 = arith.constant 128 : i32
      %dma_start3A_435 = arith.constant 0 : i32
      %dma_start3A_436 = tpu.memref_slice %arg12[%dma_start3A_434, %dma_start3A_435] : memref<320x128xf32, #tpu.memory_space<vmem>> -> memref<128x128xf32, #tpu.memory_space<vmem>>
      %dma_start3A_437 = arith.constant 128 : i32
      %dma_start3A_438 = tpu.memref_slice %arg8[%dma_start3A_437] : memref<320xi32, #tpu.memory_space<vmem>> -> memref<128xi32, #tpu.memory_space<vmem>>
      %dma_start3A_439 = arith.constant 0 : i32
      %dma_start3A_440 = arith.constant 0 : i32
      %dma_start3A_441 = tpu.memref_slice %arg2[%dma_start3A_439, %dma_start3A_440] : memref<1000000x128xf32, #tpu.memory_space<hbm>> -> memref<1000000x128xf32, #tpu.memory_space<hbm>>
      tpu.enqueue_indirect_dma source(%dma_start3A_441 : memref<1000000x128xf32, #tpu.memory_space<hbm>>) target(%dma_start3A_436 : memref<128x128xf32, #tpu.memory_space<vmem>>) offsets(%dma_start3A_438 : memref<128xi32, #tpu.memory_space<vmem>>) semaphore(%arg15 : memref<!tpu.dma_semaphore, #tpu.memory_space<semaphore_mem>>)
      %dma_start3A_442 = arith.constant 256 : i32
      %dma_start3A_443 = arith.constant 0 : i32
      %dma_start3A_444 = tpu.memref_slice %arg12[%dma_start3A_442, %dma_start3A_443] : memref<320x128xf32, #tpu.memory_space<vmem>> -> memref<64x128xf32, #tpu.memory_space<vmem>>
      %dma_start3A_445 = arith.constant 256 : i32
      %dma_start3A_446 = tpu.memref_slice %arg8[%dma_start3A_445] : memref<320xi32, #tpu.memory_space<vmem>> -> memref<64xi32, #tpu.memory_space<vmem>>
      %dma_start3A_447 = arith.constant 0 : i32
      %dma_start3A_448 = arith.constant 0 : i32
      %dma_start3A_449 = tpu.memref_slice %arg2[%dma_start3A_447, %dma_start3A_448] : memref<1000000x128xf32, #tpu.memory_space<hbm>> -> memref<1000000x128xf32, #tpu.memory_space<hbm>>
      tpu.enqueue_indirect_dma source(%dma_start3A_449 : memref<1000000x128xf32, #tpu.memory_space<hbm>>) target(%dma_start3A_444 : memref<64x128xf32, #tpu.memory_space<vmem>>) offsets(%dma_start3A_446 : memref<64xi32, #tpu.memory_space<vmem>>) semaphore(%arg15 : memref<!tpu.dma_semaphore, #tpu.memory_space<semaphore_mem>>)
      %dma_start3A_450 = arith.constant 0 : i32
      %dma_start3A_451 = arith.constant 0 : i32
      %dma_start3A_452 = tpu.memref_slice %arg11[%dma_start3A_450, %dma_start3A_451] : memref<320x128xf32, #tpu.memory_space<vmem>> -> memref<128x128xf32, #tpu.memory_space<vmem>>
      %dma_start3A_453 = arith.constant 0 : i32
      %dma_start3A_454 = tpu.memref_slice %arg9[%dma_start3A_453] : memref<320xi32, #tpu.memory_space<vmem>> -> memref<128xi32, #tpu.memory_space<vmem>>
      %dma_start3A_455 = arith.constant 0 : i32
      %dma_start3A_456 = arith.constant 0 : i32
      %dma_start3A_457 = tpu.memref_slice %arg13[%dma_start3A_455, %dma_start3A_456] : memref<600x128xf32, #tpu.memory_space<vmem_shared>> -> memref<600x128xf32, #tpu.memory_space<vmem_shared>>
      tpu.enqueue_indirect_dma source(%dma_start3A_457 : memref<600x128xf32, #tpu.memory_space<vmem_shared>>) target(%dma_start3A_452 : memref<128x128xf32, #tpu.memory_space<vmem>>) offsets(%dma_start3A_454 : memref<128xi32, #tpu.memory_space<vmem>>) semaphore(%arg16 : memref<!tpu.dma_semaphore, #tpu.memory_space<semaphore_mem>>) {add = true}
      %dma_start3A_458 = arith.constant 128 : i32
      %dma_start3A_459 = arith.constant 0 : i32
      %dma_start3A_460 = tpu.memref_slice %arg11[%dma_start3A_458, %dma_start3A_459] : memref<320x128xf32, #tpu.memory_space<vmem>> -> memref<128x128xf32, #tpu.memory_space<vmem>>
      %dma_start3A_461 = arith.constant 128 : i32
      %dma_start3A_462 = tpu.memref_slice %arg9[%dma_start3A_461] : memref<320xi32, #tpu.memory_space<vmem>> -> memref<128xi32, #tpu.memory_space<vmem>>
      %dma_start3A_463 = arith.constant 0 : i32
      %dma_start3A_464 = arith.constant 0 : i32
      %dma_start3A_465 = tpu.memref_slice %arg13[%dma_start3A_463, %dma_start3A_464] : memref<600x128xf32, #tpu.memory_space<vmem_shared>> -> memref<600x128xf32, #tpu.memory_space<vmem_shared>>
      tpu.enqueue_indirect_dma source(%dma_start3A_465 : memref<600x128xf32, #tpu.memory_space<vmem_shared>>) target(%dma_start3A_460 : memref<128x128xf32, #tpu.memory_space<vmem>>) offsets(%dma_start3A_462 : memref<128xi32, #tpu.memory_space<vmem>>) semaphore(%arg16 : memref<!tpu.dma_semaphore, #tpu.memory_space<semaphore_mem>>) {add = true}
      %dma_start3A_466 = arith.constant 256 : i32
      %dma_start3A_467 = arith.constant 0 : i32
      %dma_start3A_468 = tpu.memref_slice %arg11[%dma_start3A_466, %dma_start3A_467] : memref<320x128xf32, #tpu.memory_space<vmem>> -> memref<64x128xf32, #tpu.memory_space<vmem>>
      %dma_start3A_469 = arith.constant 256 : i32
      %dma_start3A_470 = tpu.memref_slice %arg9[%dma_start3A_469] : memref<320xi32, #tpu.memory_space<vmem>> -> memref<64xi32, #tpu.memory_space<vmem>>
      %dma_start3A_471 = arith.constant 0 : i32
      %dma_start3A_472 = arith.constant 0 : i32
      %dma_start3A_473 = tpu.memref_slice %arg13[%dma_start3A_471, %dma_start3A_472] : memref<600x128xf32, #tpu.memory_space<vmem_shared>> -> memref<600x128xf32, #tpu.memory_space<vmem_shared>>
      tpu.enqueue_indirect_dma source(%dma_start3A_473 : memref<600x128xf32, #tpu.memory_space<vmem_shared>>) target(%dma_start3A_468 : memref<64x128xf32, #tpu.memory_space<vmem>>) offsets(%dma_start3A_470 : memref<64xi32, #tpu.memory_space<vmem>>) semaphore(%arg16 : memref<!tpu.dma_semaphore, #tpu.memory_space<semaphore_mem>>) {add = true}
      %dma_wait3A_474 = arith.constant 0 : i32
      %dma_wait3A_475 = arith.constant 0 : i32
      %dma_wait3A_476 = tpu.memref_slice %arg11[%dma_wait3A_474, %dma_wait3A_475] : memref<320x128xf32, #tpu.memory_space<vmem>> -> memref<128x128xf32, #tpu.memory_space<vmem>>
      %dma_wait3A_477 = arith.constant 0 : i32
      %dma_wait3A_478 = tpu.memref_slice %arg9[%dma_wait3A_477] : memref<320xi32, #tpu.memory_space<vmem>> -> memref<128xi32, #tpu.memory_space<vmem>>
      %dma_wait3A_479 = arith.constant 0 : i32
      %dma_wait3A_480 = arith.constant 0 : i32
      %dma_wait3A_481 = tpu.memref_slice %arg13[%dma_wait3A_479, %dma_wait3A_480] : memref<600x128xf32, #tpu.memory_space<vmem_shared>> -> memref<600x128xf32, #tpu.memory_space<vmem_shared>>
      tpu.wait_indirect_dma semaphore(%arg16 : memref<!tpu.dma_semaphore, #tpu.memory_space<semaphore_mem>>) src(%dma_wait3A_481 : memref<600x128xf32, #tpu.memory_space<vmem_shared>>) dst(%dma_wait3A_476 : memref<128x128xf32, #tpu.memory_space<vmem>>)
      %dma_wait3A_482 = arith.constant 128 : i32
      %dma_wait3A_483 = arith.constant 0 : i32
      %dma_wait3A_484 = tpu.memref_slice %arg11[%dma_wait3A_482, %dma_wait3A_483] : memref<320x128xf32, #tpu.memory_space<vmem>> -> memref<128x128xf32, #tpu.memory_space<vmem>>
      %dma_wait3A_485 = arith.constant 128 : i32
      %dma_wait3A_486 = tpu.memref_slice %arg9[%dma_wait3A_485] : memref<320xi32, #tpu.memory_space<vmem>> -> memref<128xi32, #tpu.memory_space<vmem>>
      %dma_wait3A_487 = arith.constant 0 : i32
      %dma_wait3A_488 = arith.constant 0 : i32
      %dma_wait3A_489 = tpu.memref_slice %arg13[%dma_wait3A_487, %dma_wait3A_488] : memref<600x128xf32, #tpu.memory_space<vmem_shared>> -> memref<600x128xf32, #tpu.memory_space<vmem_shared>>
      tpu.wait_indirect_dma semaphore(%arg16 : memref<!tpu.dma_semaphore, #tpu.memory_space<semaphore_mem>>) src(%dma_wait3A_489 : memref<600x128xf32, #tpu.memory_space<vmem_shared>>) dst(%dma_wait3A_484 : memref<128x128xf32, #tpu.memory_space<vmem>>)
      %dma_wait3A_490 = arith.constant 256 : i32
      %dma_wait3A_491 = arith.constant 0 : i32
      %dma_wait3A_492 = tpu.memref_slice %arg11[%dma_wait3A_490, %dma_wait3A_491] : memref<320x128xf32, #tpu.memory_space<vmem>> -> memref<64x128xf32, #tpu.memory_space<vmem>>
      %dma_wait3A_493 = arith.constant 256 : i32
      %dma_wait3A_494 = tpu.memref_slice %arg9[%dma_wait3A_493] : memref<320xi32, #tpu.memory_space<vmem>> -> memref<64xi32, #tpu.memory_space<vmem>>
      %dma_wait3A_495 = arith.constant 0 : i32
      %dma_wait3A_496 = arith.constant 0 : i32
      %dma_wait3A_497 = tpu.memref_slice %arg13[%dma_wait3A_495, %dma_wait3A_496] : memref<600x128xf32, #tpu.memory_space<vmem_shared>> -> memref<600x128xf32, #tpu.memory_space<vmem_shared>>
      tpu.wait_indirect_dma semaphore(%arg16 : memref<!tpu.dma_semaphore, #tpu.memory_space<semaphore_mem>>) src(%dma_wait3A_497 : memref<600x128xf32, #tpu.memory_space<vmem_shared>>) dst(%dma_wait3A_492 : memref<64x128xf32, #tpu.memory_space<vmem>>)
      %add3A_498 = arith.constant 3 : i32
      %add3A_499 = arith.addi %add3A_261, %add3A_498 : i32
      %lt3A = arith.constant 80 : i32
      %lt3A_500 = arith.cmpi slt, %add3A_499, %lt3A : i32
      %convert_element_type3A_501 = arith.extui %lt3A_500 : i1 to i32
      %cond3A_502 = arith.constant 0 : i32
      %cond3A_503 = arith.cmpi ne, %convert_element_type3A_501, %cond3A_502 : i32
      scf.if %cond3A_503 {
        %add3A_513 = arith.constant 3 : i32
        %add3A_514 = arith.addi %add3A_261, %add3A_513 : i32
        %mul3A_515 = arith.constant 320 : i32
        %mul3A_516 = arith.muli %add3A_514, %mul3A_515 : i32
        %add3A_517 = arith.addi %mul3A_2, %mul3A_516 : i32
        %dma_start3A_518 = tpu.memref_slice %arg4[%add3A_517] : memref<819200xi32, #tpu.memory_space<hbm>> -> memref<320xi32, #tpu.memory_space<hbm>>
        %dma_start3A_519 = tpu.memref_slice %arg4[%add3A_517] : memref<819200xi32, #tpu.memory_space<hbm>> -> memref<320xi32, #tpu.memory_space<hbm>>
        tpu.enqueue_dma source(%dma_start3A_519 : memref<320xi32, #tpu.memory_space<hbm>>) target(%arg7 : memref<320xi32, #tpu.memory_space<vmem>>) target_semaphore(%arg20 : memref<!tpu.dma_semaphore, #tpu.memory_space<semaphore_mem>>)
        %dma_start3A_520 = tpu.memref_slice %arg5[%add3A_517] : memref<819200xi32, #tpu.memory_space<hbm>> -> memref<320xi32, #tpu.memory_space<hbm>>
        %dma_start3A_521 = tpu.memref_slice %arg5[%add3A_517] : memref<819200xi32, #tpu.memory_space<hbm>> -> memref<320xi32, #tpu.memory_space<hbm>>
        tpu.enqueue_dma source(%dma_start3A_521 : memref<320xi32, #tpu.memory_space<hbm>>) target(%arg9 : memref<320xi32, #tpu.memory_space<vmem>>) target_semaphore(%arg20 : memref<!tpu.dma_semaphore, #tpu.memory_space<semaphore_mem>>)
      } else {
      }
      %add3A_504 = arith.constant 1 : i32
      %add3A_505 = arith.addi %add3A_261, %add3A_504 : i32
      %mul3A_506 = arith.constant 320 : i32
      %mul3A_507 = arith.muli %add3A_505, %mul3A_506 : i32
      %add3A_508 = arith.addi %mul3A_2, %mul3A_507 : i32
      %dma_start3A_509 = arith.constant 0 : i32
      %dma_start3A_510 = tpu.memref_slice %arg6[%add3A_508, %dma_start3A_509] : memref<819200x128xf32, #tpu.memory_space<hbm>> -> memref<320x128xf32, #tpu.memory_space<hbm>>
      %dma_start3A_511 = arith.constant 0 : i32
      %dma_start3A_512 = tpu.memref_slice %arg6[%add3A_508, %dma_start3A_511] : memref<819200x128xf32, #tpu.memory_space<hbm>> -> memref<320x128xf32, #tpu.memory_space<hbm>>
      tpu.enqueue_dma source(%arg11 : memref<320x128xf32, #tpu.memory_space<vmem>>) target(%dma_start3A_512 : memref<320x128xf32, #tpu.memory_space<hbm>>) target_semaphore(%arg18 : memref<!tpu.dma_semaphore, #tpu.memory_space<semaphore_mem>>)
    }
    %scan3A_166 = arith.constant 39 : i32
    %dma_wait3A_167 = arith.constant 0 : i32
    %dma_wait3A_168 = arith.constant 0 : i32
    %dma_wait3A_169 = tpu.memref_slice %arg12[%dma_wait3A_167, %dma_wait3A_168] : memref<320x128xf32, #tpu.memory_space<vmem>> -> memref<128x128xf32, #tpu.memory_space<vmem>>
    %dma_wait3A_170 = arith.constant 0 : i32
    %dma_wait3A_171 = tpu.memref_slice %arg8[%dma_wait3A_170] : memref<320xi32, #tpu.memory_space<vmem>> -> memref<128xi32, #tpu.memory_space<vmem>>
    %dma_wait3A_172 = arith.constant 0 : i32
    %dma_wait3A_173 = arith.constant 0 : i32
    %dma_wait3A_174 = tpu.memref_slice %arg2[%dma_wait3A_172, %dma_wait3A_173] : memref<1000000x128xf32, #tpu.memory_space<hbm>> -> memref<1000000x128xf32, #tpu.memory_space<hbm>>
    tpu.wait_indirect_dma semaphore(%arg15 : memref<!tpu.dma_semaphore, #tpu.memory_space<semaphore_mem>>) src(%dma_wait3A_174 : memref<1000000x128xf32, #tpu.memory_space<hbm>>) dst(%dma_wait3A_169 : memref<128x128xf32, #tpu.memory_space<vmem>>)
    %dma_wait3A_175 = arith.constant 128 : i32
    %dma_wait3A_176 = arith.constant 0 : i32
    %dma_wait3A_177 = tpu.memref_slice %arg12[%dma_wait3A_175, %dma_wait3A_176] : memref<320x128xf32, #tpu.memory_space<vmem>> -> memref<128x128xf32, #tpu.memory_space<vmem>>
    %dma_wait3A_178 = arith.constant 128 : i32
    %dma_wait3A_179 = tpu.memref_slice %arg8[%dma_wait3A_178] : memref<320xi32, #tpu.memory_space<vmem>> -> memref<128xi32, #tpu.memory_space<vmem>>
    %dma_wait3A_180 = arith.constant 0 : i32
    %dma_wait3A_181 = arith.constant 0 : i32
    %dma_wait3A_182 = tpu.memref_slice %arg2[%dma_wait3A_180, %dma_wait3A_181] : memref<1000000x128xf32, #tpu.memory_space<hbm>> -> memref<1000000x128xf32, #tpu.memory_space<hbm>>
    tpu.wait_indirect_dma semaphore(%arg15 : memref<!tpu.dma_semaphore, #tpu.memory_space<semaphore_mem>>) src(%dma_wait3A_182 : memref<1000000x128xf32, #tpu.memory_space<hbm>>) dst(%dma_wait3A_177 : memref<128x128xf32, #tpu.memory_space<vmem>>)
    %dma_wait3A_183 = arith.constant 256 : i32
    %dma_wait3A_184 = arith.constant 0 : i32
    %dma_wait3A_185 = tpu.memref_slice %arg12[%dma_wait3A_183, %dma_wait3A_184] : memref<320x128xf32, #tpu.memory_space<vmem>> -> memref<64x128xf32, #tpu.memory_space<vmem>>
    %dma_wait3A_186 = arith.constant 256 : i32
    %dma_wait3A_187 = tpu.memref_slice %arg8[%dma_wait3A_186] : memref<320xi32, #tpu.memory_space<vmem>> -> memref<64xi32, #tpu.memory_space<vmem>>
    %dma_wait3A_188 = arith.constant 0 : i32
    %dma_wait3A_189 = arith.constant 0 : i32
    %dma_wait3A_190 = tpu.memref_slice %arg2[%dma_wait3A_188, %dma_wait3A_189] : memref<1000000x128xf32, #tpu.memory_space<hbm>> -> memref<1000000x128xf32, #tpu.memory_space<hbm>>
    tpu.wait_indirect_dma semaphore(%arg15 : memref<!tpu.dma_semaphore, #tpu.memory_space<semaphore_mem>>) src(%dma_wait3A_190 : memref<1000000x128xf32, #tpu.memory_space<hbm>>) dst(%dma_wait3A_185 : memref<64x128xf32, #tpu.memory_space<vmem>>)
    %dma_wait3A_191 = arith.constant 0 : i32
    %dma_wait3A_192 = arith.constant 0 : i32
    %dma_wait3A_193 = tpu.memref_slice %arg6[%dma_wait3A_191, %dma_wait3A_192] : memref<819200x128xf32, #tpu.memory_space<hbm>> -> memref<320x128xf32, #tpu.memory_space<hbm>>
    %dma_wait3A_194 = arith.constant 0 : i32
    %dma_wait3A_195 = arith.constant 0 : i32
    %dma_wait3A_196 = tpu.memref_slice %arg6[%dma_wait3A_194, %dma_wait3A_195] : memref<819200x128xf32, #tpu.memory_space<hbm>> -> memref<320x128xf32, #tpu.memory_space<hbm>>
    tpu.wait_dma2 semaphore(%arg18 : memref<!tpu.dma_semaphore, #tpu.memory_space<semaphore_mem>>) src(%arg11 : memref<320x128xf32, #tpu.memory_space<vmem>>) dst(%dma_wait3A_196 : memref<320x128xf32, #tpu.memory_space<hbm>>)
    %dma_start3A_197 = arith.constant 0 : i32
    %dma_start3A_198 = arith.constant 0 : i32
    %dma_start3A_199 = tpu.memref_slice %arg12[%dma_start3A_197, %dma_start3A_198] : memref<320x128xf32, #tpu.memory_space<vmem>> -> memref<128x128xf32, #tpu.memory_space<vmem>>
    %dma_start3A_200 = arith.constant 0 : i32
    %dma_start3A_201 = tpu.memref_slice %arg10[%dma_start3A_200] : memref<320xi32, #tpu.memory_space<vmem>> -> memref<128xi32, #tpu.memory_space<vmem>>
    %dma_start3A_202 = arith.constant 0 : i32
    %dma_start3A_203 = arith.constant 0 : i32
    %dma_start3A_204 = tpu.memref_slice %arg13[%dma_start3A_202, %dma_start3A_203] : memref<600x128xf32, #tpu.memory_space<vmem_shared>> -> memref<600x128xf32, #tpu.memory_space<vmem_shared>>
    tpu.enqueue_indirect_dma source(%dma_start3A_204 : memref<600x128xf32, #tpu.memory_space<vmem_shared>>) target(%dma_start3A_199 : memref<128x128xf32, #tpu.memory_space<vmem>>) offsets(%dma_start3A_201 : memref<128xi32, #tpu.memory_space<vmem>>) semaphore(%arg17 : memref<!tpu.dma_semaphore, #tpu.memory_space<semaphore_mem>>) {add = true}
    %dma_start3A_205 = arith.constant 128 : i32
    %dma_start3A_206 = arith.constant 0 : i32
    %dma_start3A_207 = tpu.memref_slice %arg12[%dma_start3A_205, %dma_start3A_206] : memref<320x128xf32, #tpu.memory_space<vmem>> -> memref<128x128xf32, #tpu.memory_space<vmem>>
    %dma_start3A_208 = arith.constant 128 : i32
    %dma_start3A_209 = tpu.memref_slice %arg10[%dma_start3A_208] : memref<320xi32, #tpu.memory_space<vmem>> -> memref<128xi32, #tpu.memory_space<vmem>>
    %dma_start3A_210 = arith.constant 0 : i32
    %dma_start3A_211 = arith.constant 0 : i32
    %dma_start3A_212 = tpu.memref_slice %arg13[%dma_start3A_210, %dma_start3A_211] : memref<600x128xf32, #tpu.memory_space<vmem_shared>> -> memref<600x128xf32, #tpu.memory_space<vmem_shared>>
    tpu.enqueue_indirect_dma source(%dma_start3A_212 : memref<600x128xf32, #tpu.memory_space<vmem_shared>>) target(%dma_start3A_207 : memref<128x128xf32, #tpu.memory_space<vmem>>) offsets(%dma_start3A_209 : memref<128xi32, #tpu.memory_space<vmem>>) semaphore(%arg17 : memref<!tpu.dma_semaphore, #tpu.memory_space<semaphore_mem>>) {add = true}
    %dma_start3A_213 = arith.constant 256 : i32
    %dma_start3A_214 = arith.constant 0 : i32
    %dma_start3A_215 = tpu.memref_slice %arg12[%dma_start3A_213, %dma_start3A_214] : memref<320x128xf32, #tpu.memory_space<vmem>> -> memref<64x128xf32, #tpu.memory_space<vmem>>
    %dma_start3A_216 = arith.constant 256 : i32
    %dma_start3A_217 = tpu.memref_slice %arg10[%dma_start3A_216] : memref<320xi32, #tpu.memory_space<vmem>> -> memref<64xi32, #tpu.memory_space<vmem>>
    %dma_start3A_218 = arith.constant 0 : i32
    %dma_start3A_219 = arith.constant 0 : i32
    %dma_start3A_220 = tpu.memref_slice %arg13[%dma_start3A_218, %dma_start3A_219] : memref<600x128xf32, #tpu.memory_space<vmem_shared>> -> memref<600x128xf32, #tpu.memory_space<vmem_shared>>
    tpu.enqueue_indirect_dma source(%dma_start3A_220 : memref<600x128xf32, #tpu.memory_space<vmem_shared>>) target(%dma_start3A_215 : memref<64x128xf32, #tpu.memory_space<vmem>>) offsets(%dma_start3A_217 : memref<64xi32, #tpu.memory_space<vmem>>) semaphore(%arg17 : memref<!tpu.dma_semaphore, #tpu.memory_space<semaphore_mem>>) {add = true}
    %dma_wait3A_221 = arith.constant 0 : i32
    %dma_wait3A_222 = arith.constant 0 : i32
    %dma_wait3A_223 = tpu.memref_slice %arg12[%dma_wait3A_221, %dma_wait3A_222] : memref<320x128xf32, #tpu.memory_space<vmem>> -> memref<128x128xf32, #tpu.memory_space<vmem>>
    %dma_wait3A_224 = arith.constant 0 : i32
    %dma_wait3A_225 = tpu.memref_slice %arg10[%dma_wait3A_224] : memref<320xi32, #tpu.memory_space<vmem>> -> memref<128xi32, #tpu.memory_space<vmem>>
    %dma_wait3A_226 = arith.constant 0 : i32
    %dma_wait3A_227 = arith.constant 0 : i32
    %dma_wait3A_228 = tpu.memref_slice %arg13[%dma_wait3A_226, %dma_wait3A_227] : memref<600x128xf32, #tpu.memory_space<vmem_shared>> -> memref<600x128xf32, #tpu.memory_space<vmem_shared>>
    tpu.wait_indirect_dma semaphore(%arg17 : memref<!tpu.dma_semaphore, #tpu.memory_space<semaphore_mem>>) src(%dma_wait3A_228 : memref<600x128xf32, #tpu.memory_space<vmem_shared>>) dst(%dma_wait3A_223 : memref<128x128xf32, #tpu.memory_space<vmem>>)
    %dma_wait3A_229 = arith.constant 128 : i32
    %dma_wait3A_230 = arith.constant 0 : i32
    %dma_wait3A_231 = tpu.memref_slice %arg12[%dma_wait3A_229, %dma_wait3A_230] : memref<320x128xf32, #tpu.memory_space<vmem>> -> memref<128x128xf32, #tpu.memory_space<vmem>>
    %dma_wait3A_232 = arith.constant 128 : i32
    %dma_wait3A_233 = tpu.memref_slice %arg10[%dma_wait3A_232] : memref<320xi32, #tpu.memory_space<vmem>> -> memref<128xi32, #tpu.memory_space<vmem>>
    %dma_wait3A_234 = arith.constant 0 : i32
    %dma_wait3A_235 = arith.constant 0 : i32
    %dma_wait3A_236 = tpu.memref_slice %arg13[%dma_wait3A_234, %dma_wait3A_235] : memref<600x128xf32, #tpu.memory_space<vmem_shared>> -> memref<600x128xf32, #tpu.memory_space<vmem_shared>>
    tpu.wait_indirect_dma semaphore(%arg17 : memref<!tpu.dma_semaphore, #tpu.memory_space<semaphore_mem>>) src(%dma_wait3A_236 : memref<600x128xf32, #tpu.memory_space<vmem_shared>>) dst(%dma_wait3A_231 : memref<128x128xf32, #tpu.memory_space<vmem>>)
    %dma_wait3A_237 = arith.constant 256 : i32
    %dma_wait3A_238 = arith.constant 0 : i32
    %dma_wait3A_239 = tpu.memref_slice %arg12[%dma_wait3A_237, %dma_wait3A_238] : memref<320x128xf32, #tpu.memory_space<vmem>> -> memref<64x128xf32, #tpu.memory_space<vmem>>
    %dma_wait3A_240 = arith.constant 256 : i32
    %dma_wait3A_241 = tpu.memref_slice %arg10[%dma_wait3A_240] : memref<320xi32, #tpu.memory_space<vmem>> -> memref<64xi32, #tpu.memory_space<vmem>>
    %dma_wait3A_242 = arith.constant 0 : i32
    %dma_wait3A_243 = arith.constant 0 : i32
    %dma_wait3A_244 = tpu.memref_slice %arg13[%dma_wait3A_242, %dma_wait3A_243] : memref<600x128xf32, #tpu.memory_space<vmem_shared>> -> memref<600x128xf32, #tpu.memory_space<vmem_shared>>
    tpu.wait_indirect_dma semaphore(%arg17 : memref<!tpu.dma_semaphore, #tpu.memory_space<semaphore_mem>>) src(%dma_wait3A_244 : memref<600x128xf32, #tpu.memory_space<vmem_shared>>) dst(%dma_wait3A_239 : memref<64x128xf32, #tpu.memory_space<vmem>>)
    %add3A_245 = arith.constant 25280 : i32
    %add3A_246 = arith.addi %mul3A_2, %add3A_245 : i32
    %dma_start3A_247 = arith.constant 0 : i32
    %dma_start3A_248 = tpu.memref_slice %arg6[%add3A_246, %dma_start3A_247] : memref<819200x128xf32, #tpu.memory_space<hbm>> -> memref<320x128xf32, #tpu.memory_space<hbm>>
    %dma_start3A_249 = arith.constant 0 : i32
    %dma_start3A_250 = tpu.memref_slice %arg6[%add3A_246, %dma_start3A_249] : memref<819200x128xf32, #tpu.memory_space<hbm>> -> memref<320x128xf32, #tpu.memory_space<hbm>>
    tpu.enqueue_dma source(%arg12 : memref<320x128xf32, #tpu.memory_space<vmem>>) target(%dma_start3A_250 : memref<320x128xf32, #tpu.memory_space<hbm>>) target_semaphore(%arg19 : memref<!tpu.dma_semaphore, #tpu.memory_space<semaphore_mem>>)
    %dma_wait3A_251 = arith.constant 0 : i32
    %dma_wait3A_252 = arith.constant 0 : i32
    %dma_wait3A_253 = tpu.memref_slice %arg6[%dma_wait3A_251, %dma_wait3A_252] : memref<819200x128xf32, #tpu.memory_space<hbm>> -> memref<320x128xf32, #tpu.memory_space<hbm>>
    %dma_wait3A_254 = arith.constant 0 : i32
    %dma_wait3A_255 = arith.constant 0 : i32
    %dma_wait3A_256 = tpu.memref_slice %arg6[%dma_wait3A_254, %dma_wait3A_255] : memref<819200x128xf32, #tpu.memory_space<hbm>> -> memref<320x128xf32, #tpu.memory_space<hbm>>
    tpu.wait_dma2 semaphore(%arg19 : memref<!tpu.dma_semaphore, #tpu.memory_space<semaphore_mem>>) src(%arg12 : memref<320x128xf32, #tpu.memory_space<vmem>>) dst(%dma_wait3A_256 : memref<320x128xf32, #tpu.memory_space<hbm>>)
    return
  }
}

</mosaic_0001>

<sc_bundles>
// kernel: kernel.3.cloned.1.call-start
scs
__scs_entry_jumppad:
0x0: {  	(pc) =	sbr.rel $0x88, $3  }
0x1: {  	(tag) =	ssettag $0x0;
	lr =	simm.s32 $0x1  }
0x2: {  	[smem:$0x3F9C] =	sst lr;
	_ =	strace $0xD0000000  }
0x3: {  	_ = 	snop  }
0x4: {  	_ = 	snop  }
0x5: {  	_ = 	snop  }
0x6: {  	_ = 	snop  }
0x7: {  	_ = 	snop  }
__scs_overlays_trampoline_lowered:
0x8: {  	[smem:$0x3FAB] =	sst s0  }
0x9: {  	[smem:$0x3FAC] =	sst s1  }
0xa: {  	[smem:$0x3FAD] =	sst s2  }
0xb: {  	[smem:$0x3FAE] =	sst s3  }
0xc: {  	[smem:$0x3FAF] =	sst s4  }
0xd: {  	[smem:$0x3FB0] =	sst s5  }
0xe: {  	[smem:$0x3FB1] =	sst s6  }
0xf: {  	[smem:$0x3FB2] =	sst s7  }
0x10: {  	[smem:$0x3FB3] =	sst s8  }
0x11: {  	[smem:$0x3FB4] =	sst s9;
	s0 =	simm.s32 @!p0 $0x0  }
0x12: {  	s1 =	sld [smem:$0x3F9A];
	s0 =	simm.s32 @p0 $0x1  }
0x13: {  	[smem:$0x3FB5] =	sst s0;
	s0 =	simm.s32 @!p1 $0x0  }
0x14: {  	s2 =	sld [smem:$0x3F99];
	s0 =	simm.s32 @p1 $0x1  }
0x15: {  	[smem:$0x3FB6] =	sst s0;
	s0 =	simm.s32 @!p2 $0x0  }
0x16: {  	s3 =	sld [smem:$0x3FDB];
	s0 =	simm.s32 @p2 $0x1  }
0x17: {  	s4 =	simm.s32 $0x1BF5;
	[smem:$0x3FB8] =	sst s0  }
0x18: {  	s0 =	sld [smem:$0x3F9B];
	_ =	swait.ge [sflag:s4], $0x0  }
0x19: {  	s7 =	sld [smem:$0x3F9C]  }
0x1a: {  	s8 =	sadd.s32 $0xFFFFE003, lr  }
0x1b: {  	s9 =	sadd.s32 $0xFFFFFEF7, lr;
	s5 =	simm.s32 $0xFFFFFFFF;
	p2 =	slt.u32 s8, $0xFFFFF086  }
0x1c: {  	p1 =	slt.u32 s9, $0xF7A;
	s5 =	simm.s32 @!p2 $0x0  }
0x1d: {  	s5 =	simm.s32 @p1 $0x1;
	p0 =	seq.s32 s7, s2  }
0x1e: {  	s7 =	smul.u32 @!p0 $0xF7A, s2;
	p2 =	seq.s32 @!p0 s5, $0x0  }
0x1f: {  	s9 =	smul.u32 $0xF7A, s1;
	s8 =	simm.s32 @!p0 $0x1BF5;
	p2 =	por !p2, p0  }
0x20: {  	[sflag:s8] =	ssyncset.s32 @!p0 $0xFFFFF086;
	s6 =	sadd.s32 @!p0 s3, s7;
	s7 =	simm.s32 @!p0 $0x108  }
0x21: {  	s3 =	sadd.s32 s3, s9;
	s6 =	sadd.s32 @!p0 $0x88, s6;
	s7 =	simm.s32 @p2 $0x1082  }
0x22: {  	[simem:s7], [sflag:s8] =	dma.local @!p0 [hbm:s6], $0xF7A  }
0x23: {  	s9 =	sor.u32 $0xD0000000, s2;
	s6 =	simm.s32 $0x108;
	_ =	swait.ge @!p0 [sflag:s8], $0x0  }
0x24: {  	s3 =	sadd.s32 $0x88, s3;
	s6 =	simm.s32 @!p1 $0x1082;
	[sflag:s4] =	ssyncset.s32 $0xFFFFF086  }
0x25: {  	[simem:s6], [sflag:s4] =	dma.local [hbm:s3], $0xF7A  }
0x26: {  	[smem:$0x3F9C] =	sst s1;
	(tag) =	ssettag s2;
	_ =	strace s9  }
0x27: {  	s1 =	sld [smem:$0x3FAC]  }
0x28: {  	s2 =	sld [smem:$0x3FAD]  }
0x29: {  	s4 =	sld [smem:$0x3FAF]  }
0x2a: {  	p0 =	seq.s32 s5, $0x0;
	s5 =	sld [smem:$0x3FB0]  }
0x2b: {  	s6 =	sld [smem:$0x3FB1]  }
0x2c: {  	s7 =	sld [smem:$0x3FB2]  }
0x2d: {  	s3 =	simm.s32 $0x108;
	s8 =	sld [smem:$0x3FB3]  }
0x2e: {  	s3 =	simm.s32 @!p0 $0x1082;
	s9 =	sld [smem:$0x3FB4]  }
0x2f: {  	lr =	sadd.s32 s0, s3;
	s0 =	sld [smem:$0x3FAB]  }
0x30: {  	s3 =	sld [smem:$0x3FAE]  }
0x31: {  	[smem:$0x3FB7] =	sst s10  }
0x32: {  	s10 =	sld [smem:$0x3FB5];
	_ =	sdelay $0x3  }
0x33: {  	p0 =	seq.s32 s10, $0x1;
	s10 =	sld [smem:$0x3FB7];
	_ =	sdelay $0x3  }
0x34: {  	[smem:$0x3FB7] =	sst s10  }
0x35: {  	s10 =	sld [smem:$0x3FB6];
	_ =	sdelay $0x3  }
0x36: {  	p1 =	seq.s32 s10, $0x1;
	s10 =	sld [smem:$0x3FB7];
	_ =	sdelay $0x3  }
0x37: {  	[smem:$0x3FB7] =	sst s10  }
0x38: {  	s10 =	sld [smem:$0x3FB8]  }
0x39: {  	_ = 	snop;
	(pc) =	sbr.ind lr, $3  }
0x3a: {  	_ = 	snop  }
0x3b: {  	_ = 	snop  }
0x3c: {  	p2 =	seq.s32 s10, $0x1;
	s10 =	sld [smem:$0x3FB7]  }
0x3d: {  	_ =	shalt  }
0x3e: {  	_ =	shalt  }
0x3f: {  	_ =	shalt  }
0x40: {  	_ =	shalt  }
0x41: {  	_ =	shalt  }
0x42: {  	_ =	shalt  }
0x43: {  	_ =	shalt  }
0x44: {  	_ =	shalt  }
0x45: {  	_ =	shalt  }
0x46: {  	_ =	shalt  }
0x47: {  	_ =	shalt  }
0x48: {  	_ =	shalt  }
0x49: {  	_ =	shalt  }
0x4a: {  	_ =	shalt  }
0x4b: {  	_ =	shalt  }
0x4c: {  	_ =	shalt  }
0x4d: {  	_ =	shalt  }
0x4e: {  	_ =	shalt  }
0x4f: {  	_ =	shalt  }
0x50: {  	_ =	shalt  }
0x51: {  	_ =	shalt  }
0x52: {  	_ =	shalt  }
0x53: {  	_ =	shalt  }
0x54: {  	_ =	shalt  }
0x55: {  	_ =	shalt  }
0x56: {  	_ =	shalt  }
0x57: {  	_ =	shalt  }
0x58: {  	_ =	shalt  }
0x59: {  	_ =	shalt  }
0x5a: {  	_ =	shalt  }
0x5b: {  	_ =	shalt  }
0x5c: {  	_ =	shalt  }
0x5d: {  	_ =	shalt  }
0x5e: {  	_ =	shalt  }
0x5f: {  	_ =	shalt  }
0x60: {  	_ =	shalt  }
0x61: {  	_ =	shalt  }
0x62: {  	_ =	shalt  }
0x63: {  	_ =	shalt  }
0x64: {  	_ =	shalt  }
0x65: {  	_ =	shalt  }
0x66: {  	_ =	shalt  }
0x67: {  	_ =	shalt  }
0x68: {  	_ =	shalt  }
0x69: {  	_ =	shalt  }
0x6a: {  	_ =	shalt  }
0x6b: {  	_ =	shalt  }
0x6c: {  	_ =	shalt  }
0x6d: {  	_ =	shalt  }
0x6e: {  	_ =	shalt  }
0x6f: {  	_ =	shalt  }
0x70: {  	_ =	shalt  }
0x71: {  	_ =	shalt  }
0x72: {  	_ =	shalt  }
0x73: {  	_ =	shalt  }
0x74: {  	_ =	shalt  }
0x75: {  	_ =	shalt  }
0x76: {  	_ =	shalt  }
0x77: {  	_ =	shalt  }
0x78: {  	_ =	shalt  }
0x79: {  	_ =	shalt  }
0x7a: {  	_ =	shalt  }
0x7b: {  	_ =	shalt  }
0x7c: {  	_ =	shalt  }
0x7d: {  	_ =	shalt  }
0x7e: {  	_ =	shalt  }
0x7f: {  	_ =	shalt  }
0x80: {  	_ =	shalt  }
0x81: {  	_ =	shalt  }
0x82: {  	_ =	shalt  }
0x83: {  	_ =	shalt  }
0x84: {  	_ =	shalt  }
0x85: {  	_ =	shalt  }
0x86: {  	_ =	shalt  }
0x87: {  	_ =	shalt  }
.Lfunc_end0:
.L_simem_size_0:
called_computation.1_lowered:
.L_overlay_start_0:
0x88: {  	s2 =	sld [smem:$0x3FD9]  }
0x89: {  	s3 =	sld [smem:$0x3FFE];
	_ =	sdelay $0x1  }
0x8a: {  	s1 =	srdreg.scid  }
0x8b: {  	s0 =	sand.u32 $0x1, s1  }
0x8c: {  	s17 =	sshll.u32 s0, $0xA;
	s2 =	sadd.s32 s3, s2  }
0x8d: {  	s2 =	sadd.s32 s2, s17  }
0x8e: {  	[smem:$0x3FC3] =	sst s2  }
0x8f: {  	_ = 	snop  }
0x90: {  	s2 =	sld [smem:$0x3FD0];
	(tm) =	ssettm $0x1  }
0x91: {  	s18 =	sld [smem:$0x3FFB];
	_ =	sdelay $0x3  }
0x92: {  	_ =	strace s18  }
0x93: {  	s3 =	sld [smem:$0x3FFC];
	_ =	sdelay $0x3  }
0x94: {  	_ =	strace s3  }
0x95: {  	s3 =	sld [smem:$0x3FFD];
	_ =	sdelay $0x3  }
0x96: {  	_ =	strace s3  }
0x97: {  	_ =	strace $0x8FFFFFFF  }
0x98: {  	s19 =	sld [smem:$0x3FDB];
	_ =	sdelay $0x1  }
0x99: {  	s4 =	simm.s32 $_scs_section_size  }
0x9a: {  	s5 =	simm.s32 $_size__tile_overlayer_lowered;
	s6 =	simm.s32 $_tile_overlayer_lowered  }
0x9b: {  	s22 =	simm.s32 $0x1BFF;
	s21 =	sshll.u32 s6, $0x1;
	s3 =	sadd.s32 s4, s19  }
0x9c: {  	s7 =	simm.s32 $0x0;
	s20 =	sshll.u32 s5, $0x1;
	s5 =	sadd.s32 s21, s3  }
0x9d: {  	[timem:s7], [sflag:s22] =	dma.local [hbm:s5], s20  }
0x9e: {  	_ =	swait.ge [sflag:s22], s20  }
0x9f: {  	s4 =	ssub.s32 $0x0, s20;
	[sflag:s22] =	ssyncset.done $0x0  }
0xa0: {  	[sflag:s22] =	ssyncadd.s32 s4;
	_ =	sdelay $0x1  }
0xa1: {  	s23 =	simm.s32 $0x1B8B  }
0xa2: {  	_ =	swait.ge [sflag:s23], $0x1  }
0xa3: {  	[sflag:s23] =	ssyncset.done $0x0  }
0xa4: {  	s25 =	simm.s32 $0x1B8E;
	s24 =	sld [smem:$0x3FFE];
	[sflag:s23] =	ssyncadd.s32 $0xFFFFFFFF  }
0xa5: {  	s26 =	simm.s32 $execute0_lowered;
	[smem:$0x3FD2] =	sst s25  }
0xa6: {  	s5 =	sshll.u32 s26, $0x1;
	_ =	strace $0x80000046;
	[dreg:$0x1] =	wrdreg $0xFFFFFFFF  }
0xa7: {  	s28 =	simm.s32 $_size_execute0_lowered;
	s3 =	sadd.s32 s3, s5;
	[dreg:$0x0] =	wrdreg $0x0  }
0xa8: {  	s5 =	sshll.u32 s28, $0x1;
	[dreg:$0x2] =	wrdreg s3  }
0xa9: {  	[dreg:$0x3] =	wrdreg s5  }
0xaa: {  	[dreg:$0x4] =	wrdreg $0xC0  }
0xab: {  	_ =	task [dreg:s7], $0x5FFFF  }
0xac: {  	[dreg:$0x1] =	wrdreg $0xFFFFFFFF  }
0xad: {  	[dreg:$0x0] =	wrdreg $0x60  }
0xae: {  	[dreg:$0x2] =	wrdreg s24  }
0xaf: {  	[dreg:$0x3] =	wrdreg s2  }
0xb0: {  	[dreg:$0x4] =	wrdreg $0x146000  }
0xb1: {  	[dreg:$0x5] =	wrdreg $0x9  }
0xb2: {  	_ =	task.clear_ibuf [dreg:s7], $0x6FFFF;
	_ =	strace $0x90000046  }
0xb3: {  	s29 =	simm.s32 $0x9;
	_ =	strace $0x80000048  }
0xb4: {  	_ =	swait.ge [sflag:s29], $0x1  }
0xb5: {  	[sflag:s29] =	ssyncadd.s32 $0xFFFFFFFF  }
0xb6: {  	_ =	strace $0x90000048  }
0xb7: {  	_ =	sfence  }
0xb8: {  	s30 =	sld [smem:$0x0];
	_ =	sdelay $0x2  }
0xb9: {  	s31 =	sshll.u32 s1, $0xD;
	s1 =	sshrl.u32 s1, $0x2  }
0xba: {  	s3 =	sand.u32 $0x4000, s31;
	s1 =	sadd.s32 s1, s30  }
0xbb: {  	s0 =	sor.u32 s3, s0;
	s1 =	sshll.u32 s1, $0x11  }
0xbc: {  	s0 =	sor.u32 s1, s0  }
0xbd: {  	s0 =	sadd.s32 $0x8F2B, s0  }
0xbe: {  	[sflag:s0] =	ssyncadd.remote.s32 $0x1  }
0xbf: {  	_ =	sfence.sel $0xFFFF  }
0xc0: {  	[dreg:$0x0] =	wrdreg $0xFFFFFFFF;
	(pc) =	sbr.abs _section_cstart, $3  }
0xc1: {  	[dreg:$0x1] =	wrdreg $0xFFFFFFFF  }
0xc2: {  	_ =	task.clear_ibuf [dreg:s7], $0x2FFFF;
	_ =	strace $0x9FFFFFFF  }
0xc3: {  	(tm) =	ssettm $0x7FFFFFFF  }
tec
execute0_lowered:
.L_overlay_start_1:
0x0: {  	(tag) =	ssettag $0x1  }
0x1: {  	s0 =	rddreg [dreg:$0x0]  }
0x2: {  	s4 =	rddreg [dreg:$0x1]  }
0x3: {  	s1 =	rddreg [dreg:$0x2];
	s2 =	simm.s32 $0x0;
	s3 =	srdreg.scid  }
0x4: {  	s5 =	stileid.u32;
	s29 =	simm.s32 $0x100;
	s28 =	simm.s32 $0xA600  }
0x5: {  	s30 =	simm.s32 $0xE600;
	[smem:$0x7FF] =	sst s2;
	s6 =	sand.u32 $0x1, s3  }
0x6: {  	s14 =	sshll.u32 s5, $0x1;
	s3 =	sadd.s32 $0xF43800, s0;
	s19 =	smul.u32 $0xC800, s5  }
0x7: {  	s10 =	sadd.s32 $0x1A400, s0;
	s15 =	sadd.s32 $0x1400, s0;
	s24 =	smul.u32 $0xC8000, s5  }
0x8: {  	s0 =	sadd.s32 $0x1CA00, s0;
	s7 =	sor.u32 s6, s14;
	s20 =	smul.u32 $0x6400, s6  }
0x9: {  	p0 =	sne.s32 s5, $0x0;
	s5 =	simm.s32 $0x300;
	s9 =	smul.u32 $0x6400, s7  }
0xa: {  	_ =	strace $0x80000047;
	s8 =	ssub.s32 $0x2, s6;
	s12 =	smul.u32 $0x320000, s7  }
0xb: {  	[dreg:$0x8] =	wrdreg s10;
	s11 =	sshrl.u32 s8, $0x1;
	s7 =	smul.u32 $0x64000, s7  }
0xc: {  	s6 =	smul.u32 $0x64000, s6;
	s10 =	simm.s32 $0x280;
	s8 =	ssub.s32 s8, s11  }
0xd: {  	s9 =	sshrl.u32 s9, $0x3;
	s12 =	sshrl.u32 s12, $0x3;
	s7 =	sadd.s32 s0, s7  }
0xe: {  	s8 =	smax.u32 s8, $0x1;
	s16 =	sadd.s32 s4, s9;
	s17 =	sor.u32 $0x28, s9  }
0xf: {  	s13 =	sadd.s32 s15, s9;
	s9 =	sor.u32 $0x50, s9;
	[dreg:$0xf] =	wrdreg s7  }
0x10: {  	s21 =	sadd.s32 s0, s12;
	[dreg:$0x11] =	wrdreg s8;
	s0 =	sadd.s32 s24, s0  }
0x11: {  	s24 =	simm.s32 $0x8600;
	s8 =	simm.s32 $0x5;
	[dreg:$0x9] =	wrdreg s16  }
0x12: {  	s12 =	simm.s32 $0x6;
	[dreg:$0xa] =	wrdreg s13;
	s18 =	sadd.s32 s4, s17  }
0x13: {  	s11 =	sadd.s32 s15, s17;
	s14 =	sadd.s32 s4, s9;
	s9 =	sadd.s32 s15, s9  }
0x14: {  	s22 =	sadd.s32 $0x62C00, s21;
	s0 =	sadd.s32 s6, s0;
	[dreg:$0xb] =	wrdreg s18  }
0x15: {  	s16 =	simm.s32 $0x180;
	s17 =	simm.s32 $0x480;
	[dreg:$0xc] =	wrdreg s11  }
0x16: {  	s21 =	simm.s32 $0x4600;
	s6 =	simm.s32 $0x3;
	[dreg:$0xd] =	wrdreg s14  }
0x17: {  	s13 =	simm.s32 $0x0;
	[dreg:$0xe] =	wrdreg s9;
	s11 =	sadd.s32 s20, s19  }
0x18: {  	[dreg:$0x10] =	wrdreg s22;
	s0 =	sadd.s32 $0x2800, s0;
	s18 =	simm.s32 $0x7  }
0x19: {  	s19 =	simm.s32 $0x80;
	s20 =	simm.s32 $0x600;
	s22 =	simm.s32 $0x40  }
0x1a: {  	s9 =	simm.s32 $0x200;
	s23 =	sadd.s32 $0x500, s11;
	s11 =	sor.u32 $0x3C0, s11  }
0x1b: {  	[dreg:$0x12] =	wrdreg s0;
	s0 =	simm.s32 $0x12600;
	s7 =	sshrl.u32 s23, $0x3  }
0x1c: {  	s26 =	sshrl.u32 s11, $0x3;
	s23 =	simm.s32 $0x400;
	s25 =	sadd.s32 s7, s15  }
0x1d: {  	s11 =	simm.s32 $0x4;
	s7 =	sadd.s32 s7, s4;
	[dreg:$0x4] =	wrdreg s25  }
0x1e: {  	s31 =	sadd.s32 s26, s15;
	s4 =	sadd.s32 s26, s4;
	[dreg:$0x5] =	wrdreg s7  }
0x1f: {  	s26 =	simm.s32 $0x8;
	s15 =	simm.s32 $0x380;
	[dreg:$0x6] =	wrdreg s31  }
0x20: {  	[dreg:$0x7] =	wrdreg s4;
	s25 =	simm.s32 $0x1;
	s7 =	simm.s32 $0x2  }
.LBB2_1:
0x21: {  	[dreg:$0x13] =	wrdreg s13  }
0x22: {  	s13 =	sshrl.u32 @!p0 s1, $0x3;
	s14 =	simm.s32 @!p0 $0x1C09;
	s4 =	rddreg [dreg:$0x8]  }
0x23: {  	[spmem:s13], [sflag:s14] =	dma.local @!p0 [hbm:s4], $0x2580  }
0x24: {  	s13 =	simm.s32 @!p0 $0x9  }
0x25: {  	_ =	swait.ge @!p0 [sflag:s13], $0x2580  }
0x26: {  	[sflag:s13] =	ssyncset.done @!p0 $0x0  }
0x27: {  	[sflag:s13] =	ssyncadd.s32 @!p0 $0xFFFFDA80  }
0x28: {  	[bflag:$0x0] =	sbarrier.arrive $0xFFFF  }
0x29: {  	s31 =	rddreg [dreg:$0x9]  }
0x2a: {  	[tilespmem:s2], [sflag:$0x7] =	stream.linear.gather [hbm4b:s31+s2], $0x140, $0x38;
	[tilespmem:$0x158C0] =	vst v63  }
0x2b: {  	s13 =	rddreg [dreg:$0xa]  }
0x2c: {  	[tilespmem:s5], [sflag:$0x7] =	stream.linear.gather [hbm4b:s13+s2], $0x140, $0x38;
	[tilespmem:$0x158C0] =	vst v63  }
0x2d: {  	s14 =	rddreg [dreg:$0xb]  }
0x2e: {  	[tilespmem:s16], [sflag:$0x8] =	stream.linear.gather [hbm4b:s14+s2], $0x140, $0x38;
	[tilespmem:$0x158C0] =	vst v63  }
0x2f: {  	s31 =	rddreg [dreg:$0xc]  }
0x30: {  	[tilespmem:s17], [sflag:$0x8] =	stream.linear.gather [hbm4b:s31+s2], $0x140, $0x38;
	[tilespmem:$0x158C0] =	vst v63  }
0x31: {  	_ =	swait.ge [sflag:s18], $0x140  }
0x32: {  	[sflag:s18] =	ssyncset.done $0x0  }
0x33: {  	[sflag:s18] =	ssyncadd.s32 $0xFFFFFEC0  }
0x34: {  	_ =	swait.ge [sflag:s18], $0x140  }
0x35: {  	[sflag:s18] =	ssyncset.done $0x0  }
0x36: {  	[sflag:s18] =	ssyncadd.s32 $0xFFFFFEC0  }
0x37: {  	[tilespmem:s20], [sflag:$0x1] =	stream.indirect.gather [hbm4b:s3+s19], $0x80, s2, s19, $0xb8;
	[tilespmem:$0x158C0] =	vst v63  }
0x38: {  	_ = 	snop  }
0x39: {  	[tilespmem:s21], [sflag:$0x1] =	stream.indirect.gather [hbm4b:s3+s19], $0x80, s19, s19, $0xb8;
	[tilespmem:$0x158C0] =	vst v63  }
0x3a: {  	_ = 	snop  }
0x3b: {  	[tilespmem:s24], [sflag:$0x1] =	stream.indirect.gather [hbm4b:s3+s22], $0x80, s29, s22, $0xb8;
	[tilespmem:$0x158C0] =	vst v63  }
0x3c: {  	_ =	swait.ge [sflag:s25], $0x4000  }
0x3d: {  	[sflag:s25] =	ssyncset.done $0x0  }
0x3e: {  	[sflag:s25] =	ssyncadd.s32 $0xFFFFC000  }
0x3f: {  	_ =	swait.ge [sflag:s25], $0x4000  }
0x40: {  	[sflag:s25] =	ssyncset.done $0x0  }
0x41: {  	[sflag:s25] =	ssyncadd.s32 $0xFFFFC000  }
0x42: {  	_ =	swait.ge [sflag:s25], $0x2000  }
0x43: {  	[sflag:s25] =	ssyncset.done $0x0  }
0x44: {  	[sflag:s25] =	ssyncadd.s32 $0xFFFFE000  }
0x45: {  	_ =	swait.ge [sflag:s26], $0x140  }
0x46: {  	[sflag:s26] =	ssyncset.done $0x0  }
0x47: {  	[sflag:s26] =	ssyncadd.s32 $0xFFFFFEC0  }
0x48: {  	_ =	swait.ge [sflag:s26], $0x140  }
0x49: {  	[sflag:s26] =	ssyncset.done $0x0  }
0x4a: {  	[sflag:s26] =	ssyncadd.s32 $0xFFFFFEC0  }
0x4b: {  	[tilespmem:s28], [sflag:$0x2] =	stream.indirect.gather [hbm4b:s3+s19], $0x80, s16, s19, $0xb8;
	[tilespmem:$0x158C0] =	vst v63  }
0x4c: {  	_ = 	snop  }
0x4d: {  	[tilespmem:s30], [sflag:$0x2] =	stream.indirect.gather [hbm4b:s3+s19], $0x80, s9, s19, $0xb8;
	[tilespmem:$0x158C0] =	vst v63  }
0x4e: {  	_ = 	snop  }
0x4f: {  	[tilespmem:s0], [sflag:$0x2] =	stream.indirect.gather [hbm4b:s3+s22], $0x80, s10, s22, $0xb8;
	[tilespmem:$0x158C0] =	vst v63  }
0x50: {  	_ = 	snop  }
0x51: {  	[tilespmem:s20], [sflag:$0x3] =	stream.indirect.gather.add.f32 [spmem:s1], $0x80, s5, s19, $0xb8;
	[tilespmem:$0x158C0] =	vst v63  }
0x52: {  	_ = 	snop  }
0x53: {  	[tilespmem:s21], [sflag:$0x3] =	stream.indirect.gather.add.f32 [spmem:s1], $0x80, s15, s19, $0xb8;
	[tilespmem:$0x158C0] =	vst v63  }
0x54: {  	_ = 	snop  }
0x55: {  	[tilespmem:s24], [sflag:$0x3] =	stream.indirect.gather.add.f32 [spmem:s1], $0x80, s23, s22, $0xb8;
	[tilespmem:$0x158C0] =	vst v63  }
0x56: {  	_ =	swait.ge [sflag:s6], $0x4000  }
0x57: {  	[sflag:s6] =	ssyncset.done $0x0  }
0x58: {  	[sflag:s6] =	ssyncadd.s32 $0xFFFFC000  }
0x59: {  	_ =	swait.ge [sflag:s6], $0x4000  }
0x5a: {  	[sflag:s6] =	ssyncset.done $0x0  }
0x5b: {  	[sflag:s6] =	ssyncadd.s32 $0xFFFFC000  }
0x5c: {  	_ =	swait.ge [sflag:s6], $0x2000  }
0x5d: {  	[sflag:s6] =	ssyncset.done $0x0  }
0x5e: {  	s13 =	rddreg [dreg:$0xd];
	[sflag:s6] =	ssyncadd.s32 $0xFFFFE000  }
0x5f: {  	[tilespmem:s2], [sflag:$0x7] =	stream.linear.gather [hbm4b:s13+s2], $0x140, $0x38;
	[tilespmem:$0x158C0] =	vst v63  }
0x60: {  	s14 =	rddreg [dreg:$0xe]  }
0x61: {  	[tilespmem:s5], [sflag:$0x7] =	stream.linear.gather [hbm4b:s14+s2], $0x140, $0x38;
	[tilespmem:$0x158C0] =	vst v63  }
0x62: {  	s31 =	rddreg [dreg:$0xf]  }
0x63: {  	[hbm4b:s31+s2] =	stream.linear.scatter [tilespmem:s20], [sflag:$0x5], $0xA000, $0x38;
	[tilespmem:$0x158C0] =	vst v63  }
0x64: {  	_ =	swait.ge [sflag:s7], $0x4000  }
0x65: {  	[sflag:s7] =	ssyncset.done $0x0  }
0x66: {  	[sflag:s7] =	ssyncadd.s32 $0xFFFFC000  }
0x67: {  	_ =	swait.ge [sflag:s7], $0x4000  }
0x68: {  	[sflag:s7] =	ssyncset.done $0x0  }
0x69: {  	[sflag:s7] =	ssyncadd.s32 $0xFFFFC000  }
0x6a: {  	_ =	swait.ge [sflag:s7], $0x2000  }
0x6b: {  	[sflag:s7] =	ssyncset.done $0x0  }
0x6c: {  	[sflag:s7] =	ssyncadd.s32 $0xFFFFE000  }
0x6d: {  	_ =	swait.ge [sflag:s8], $0xA000  }
0x6e: {  	[sflag:s8] =	ssyncset.done $0x0  }
0x6f: {  	[sflag:s8] =	ssyncadd.s32 $0xFFFF6000  }
0x70: {  	_ =	swait.ge [sflag:s18], $0x140  }
0x71: {  	[sflag:s18] =	ssyncset.done $0x0  }
0x72: {  	[sflag:s18] =	ssyncadd.s32 $0xFFFFFEC0  }
0x73: {  	_ =	swait.ge [sflag:s18], $0x140  }
0x74: {  	[sflag:s18] =	ssyncset.done $0x0  }
0x75: {  	[sflag:s18] =	ssyncadd.s32 $0xFFFFFEC0  }
0x76: {  	[tilespmem:s20], [sflag:$0x1] =	stream.indirect.gather [hbm4b:s3+s19], $0x80, s2, s19, $0xb8;
	[tilespmem:$0x158C0] =	vst v63  }
0x77: {  	_ = 	snop  }
0x78: {  	[tilespmem:s21], [sflag:$0x1] =	stream.indirect.gather [hbm4b:s3+s19], $0x80, s19, s19, $0xb8;
	[tilespmem:$0x158C0] =	vst v63  }
0x79: {  	_ = 	snop  }
0x7a: {  	[tilespmem:s24], [sflag:$0x1] =	stream.indirect.gather [hbm4b:s3+s22], $0x80, s29, s22, $0xb8;
	[tilespmem:$0x158C0] =	vst v63  }
0x7b: {  	_ = 	snop  }
0x7c: {  	[tilespmem:s28], [sflag:$0x4] =	stream.indirect.gather.add.f32 [spmem:s1], $0x80, s17, s19, $0xb8;
	[tilespmem:$0x158C0] =	vst v63  }
0x7d: {  	s13 =	simm.s32 $0x500  }
0x7e: {  	[tilespmem:s30], [sflag:$0x4] =	stream.indirect.gather.add.f32 [spmem:s1], $0x80, s13, s19, $0xb8;
	[tilespmem:$0x158C0] =	vst v63  }
0x7f: {  	s14 =	simm.s32 $0x580  }
0x80: {  	[tilespmem:s0], [sflag:$0x4] =	stream.indirect.gather.add.f32 [spmem:s1], $0x80, s14, s22, $0xb8;
	[tilespmem:$0x158C0] =	vst v63  }
0x81: {  	_ =	swait.ge [sflag:s11], $0x4000  }
0x82: {  	[sflag:s11] =	ssyncset.done $0x0  }
0x83: {  	[sflag:s11] =	ssyncadd.s32 $0xFFFFC000  }
0x84: {  	_ =	swait.ge [sflag:s11], $0x4000  }
0x85: {  	[sflag:s11] =	ssyncset.done $0x0  }
0x86: {  	[sflag:s11] =	ssyncadd.s32 $0xFFFFC000  }
0x87: {  	_ =	swait.ge [sflag:s11], $0x2000  }
0x88: {  	s31 =	rddreg [dreg:$0x7];
	[sflag:s11] =	ssyncset.done $0x0  }
0x89: {  	s4 =	rddreg [dreg:$0x6];
	[sflag:s11] =	ssyncadd.s32 $0xFFFFE000;
	s13 =	sadd.s32 $0x0, s31  }
0x8a: {  	[tilespmem:s16], [sflag:$0x8] =	stream.linear.gather [hbm4b:s13+s2], $0x140, $0x38;
	[tilespmem:$0x158C0] =	vst v63  }
0x8b: {  	s14 =	sadd.s32 $0x0, s4;
	s4 =	rddreg [dreg:$0x12]  }
0x8c: {  	[tilespmem:s17], [sflag:$0x8] =	stream.linear.gather [hbm4b:s14+s2], $0x140, $0x38;
	[tilespmem:$0x158C0] =	vst v63  }
0x8d: {  	s31 =	sadd.s32 $0xFFFFEC00, s4  }
0x8e: {  	[hbm4b:s31+s2] =	stream.linear.scatter [tilespmem:s28], [sflag:$0x6], $0xA000, $0x38;
	[tilespmem:$0x158C0] =	vst v63  }
0x8f: {  	_ =	swait.ge [sflag:s25], $0x4000  }
0x90: {  	[sflag:s25] =	ssyncset.done $0x0  }
0x91: {  	[sflag:s25] =	ssyncadd.s32 $0xFFFFC000  }
0x92: {  	_ =	swait.ge [sflag:s25], $0x4000  }
0x93: {  	[sflag:s25] =	ssyncset.done $0x0  }
0x94: {  	[sflag:s25] =	ssyncadd.s32 $0xFFFFC000  }
0x95: {  	_ =	swait.ge [sflag:s25], $0x2000  }
0x96: {  	[sflag:s25] =	ssyncset.done $0x0  }
0x97: {  	[sflag:s25] =	ssyncadd.s32 $0xFFFFE000  }
0x98: {  	_ =	swait.ge [sflag:s12], $0xA000  }
0x99: {  	[sflag:s12] =	ssyncset.done $0x0  }
0x9a: {  	[sflag:s12] =	ssyncadd.s32 $0xFFFF6000  }
0x9b: {  	_ =	swait.ge [sflag:s26], $0x140  }
0x9c: {  	[sflag:s26] =	ssyncset.done $0x0  }
0x9d: {  	[sflag:s26] =	ssyncadd.s32 $0xFFFFFEC0  }
0x9e: {  	_ =	swait.ge [sflag:s26], $0x140  }
0x9f: {  	[sflag:s26] =	ssyncset.done $0x0  }
0xa0: {  	[sflag:s26] =	ssyncadd.s32 $0xFFFFFEC0  }
0xa1: {  	[tilespmem:s28], [sflag:$0x2] =	stream.indirect.gather [hbm4b:s3+s19], $0x80, s16, s19, $0xb8;
	[tilespmem:$0x158C0] =	vst v63  }
0xa2: {  	_ = 	snop  }
0xa3: {  	[tilespmem:s30], [sflag:$0x2] =	stream.indirect.gather [hbm4b:s3+s19], $0x80, s9, s19, $0xb8;
	[tilespmem:$0x158C0] =	vst v63  }
0xa4: {  	_ = 	snop  }
0xa5: {  	[tilespmem:s0], [sflag:$0x2] =	stream.indirect.gather [hbm4b:s3+s22], $0x80, s10, s22, $0xb8;
	[tilespmem:$0x158C0] =	vst v63  }
0xa6: {  	_ = 	snop  }
0xa7: {  	[tilespmem:s20], [sflag:$0x3] =	stream.indirect.gather.add.f32 [spmem:s1], $0x80, s5, s19, $0xb8;
	[tilespmem:$0x158C0] =	vst v63  }
0xa8: {  	_ = 	snop  }
0xa9: {  	[tilespmem:s21], [sflag:$0x3] =	stream.indirect.gather.add.f32 [spmem:s1], $0x80, s15, s19, $0xb8;
	[tilespmem:$0x158C0] =	vst v63  }
0xaa: {  	_ = 	snop  }
0xab: {  	[tilespmem:s24], [sflag:$0x3] =	stream.indirect.gather.add.f32 [spmem:s1], $0x80, s23, s22, $0xb8;
	[tilespmem:$0x158C0] =	vst v63  }
0xac: {  	_ =	swait.ge [sflag:s6], $0x4000  }
0xad: {  	[sflag:s6] =	ssyncset.done $0x0  }
0xae: {  	[sflag:s6] =	ssyncadd.s32 $0xFFFFC000  }
0xaf: {  	_ =	swait.ge [sflag:s6], $0x4000  }
0xb0: {  	[sflag:s6] =	ssyncset.done $0x0  }
0xb1: {  	p1 =	por $0x0, $0x0;
	[sflag:s6] =	ssyncadd.s32 $0xFFFFC000  }
0xb2: {  	s9 =	simm.s32 $0x400;
	s10 =	simm.s32 $0x280;
	_ =	swait.ge [sflag:s6], $0x2000  }
0xb3: {  	s15 =	simm.s32 @!p1 $0x0;
	s13 =	rddreg [dreg:$0x5];
	[sflag:s6] =	ssyncset.done $0x0  }
0xb4: {  	s14 =	rddreg [dreg:$0x4];
	[sflag:s6] =	ssyncadd.s32 $0xFFFFE000;
	s13 =	sadd.s32 @!p1 $0x0, s13  }
0xb5: {  	[tilespmem:s15], [sflag:$0x7] =	stream.linear.gather @!p1 [hbm4b:s13+s15], $0x140, $0x38;
	[tilespmem:$0x158C0] =	vst v63  }
0xb6: {  	s5 =	simm.s32 $0x380;
	s13 =	sadd.s32 @!p1 $0x0, s14;
	s14 =	simm.s32 @!p1 $0x300  }
0xb7: {  	[tilespmem:s14], [sflag:$0x7] =	stream.linear.gather @!p1 [hbm4b:s13+s15], $0x140, $0x38;
	[tilespmem:$0x158C0] =	vst v63  }
0xb8: {  	s14 =	simm.s32 $0x50;
	s13 =	sadd.s32 $0x2800, s4;
	s15 =	smov.u32 s4  }
.LBB2_2:
0xb9: {  	[hbm4b:s15+s2] =	stream.linear.scatter [tilespmem:s20], [sflag:$0x5], $0xA000, $0x38;
	[tilespmem:$0x158C0] =	vst v63  }
0xba: {  	_ =	swait.ge [sflag:s7], $0x4000  }
0xbb: {  	[sflag:s7] =	ssyncset.done $0x0  }
0xbc: {  	[sflag:s7] =	ssyncadd.s32 $0xFFFFC000  }
0xbd: {  	_ =	swait.ge [sflag:s7], $0x4000  }
0xbe: {  	[sflag:s7] =	ssyncset.done $0x0  }
0xbf: {  	[sflag:s7] =	ssyncadd.s32 $0xFFFFC000  }
0xc0: {  	_ =	swait.ge [sflag:s7], $0x2000  }
0xc1: {  	[sflag:s7] =	ssyncset.done $0x0  }
0xc2: {  	[sflag:s7] =	ssyncadd.s32 $0xFFFFE000  }
0xc3: {  	_ =	swait.ge [sflag:s8], $0xA000  }
0xc4: {  	[sflag:s8] =	ssyncset.done $0x0  }
0xc5: {  	[sflag:s8] =	ssyncadd.s32 $0xFFFF6000  }
0xc6: {  	_ =	swait.ge [sflag:s18], $0x140  }
0xc7: {  	[sflag:s18] =	ssyncset.done $0x0  }
0xc8: {  	[sflag:s18] =	ssyncadd.s32 $0xFFFFFEC0  }
0xc9: {  	_ =	swait.ge [sflag:s18], $0x140  }
0xca: {  	[sflag:s18] =	ssyncset.done $0x0  }
0xcb: {  	[sflag:s18] =	ssyncadd.s32 $0xFFFFFEC0  }
0xcc: {  	[tilespmem:s20], [sflag:$0x1] =	stream.indirect.gather [hbm4b:s3+s19], $0x80, s2, s19, $0xb8;
	[tilespmem:$0x158C0] =	vst v63  }
0xcd: {  	_ = 	snop  }
0xce: {  	[tilespmem:s21], [sflag:$0x1] =	stream.indirect.gather [hbm4b:s3+s19], $0x80, s19, s19, $0xb8;
	[tilespmem:$0x158C0] =	vst v63  }
0xcf: {  	_ = 	snop  }
0xd0: {  	[tilespmem:s24], [sflag:$0x1] =	stream.indirect.gather [hbm4b:s3+s22], $0x80, s29, s22, $0xb8;
	[tilespmem:$0x158C0] =	vst v63  }
0xd1: {  	_ = 	snop  }
0xd2: {  	[tilespmem:s28], [sflag:$0x4] =	stream.indirect.gather.add.f32 [spmem:s1], $0x80, s17, s19, $0xb8;
	[tilespmem:$0x158C0] =	vst v63  }
0xd3: {  	s4 =	simm.s32 $0x500  }
0xd4: {  	[tilespmem:s30], [sflag:$0x4] =	stream.indirect.gather.add.f32 [spmem:s1], $0x80, s4, s19, $0xb8;
	[tilespmem:$0x158C0] =	vst v63  }
0xd5: {  	s31 =	simm.s32 $0x580  }
0xd6: {  	[tilespmem:s0], [sflag:$0x4] =	stream.indirect.gather.add.f32 [spmem:s1], $0x80, s31, s22, $0xb8;
	[tilespmem:$0x158C0] =	vst v63  }
0xd7: {  	_ =	swait.ge [sflag:s11], $0x4000  }
0xd8: {  	[sflag:s11] =	ssyncset.done $0x0  }
0xd9: {  	[sflag:s11] =	ssyncadd.s32 $0xFFFFC000  }
0xda: {  	_ =	swait.ge [sflag:s11], $0x4000  }
0xdb: {  	[sflag:s11] =	ssyncset.done $0x0  }
0xdc: {  	[sflag:s11] =	ssyncadd.s32 $0xFFFFC000  }
0xdd: {  	_ =	swait.ge [sflag:s11], $0x2000  }
0xde: {  	s23 =	smov.u32 s14;
	s29 =	rddreg [dreg:$0x7];
	[sflag:s11] =	ssyncset.done $0x0  }
0xdf: {  	s31 =	rddreg [dreg:$0x6];
	[sflag:s11] =	ssyncadd.s32 $0xFFFFE000;
	s29 =	sadd.s32 s23, s29  }
0xe0: {  	[tilespmem:s16], [sflag:$0x8] =	stream.linear.gather [hbm4b:s29+s2], $0x140, $0x38;
	[tilespmem:$0x158C0] =	vst v63  }
0xe1: {  	s29 =	sadd.s32 s23, s31  }
0xe2: {  	[tilespmem:s17], [sflag:$0x8] =	stream.linear.gather [hbm4b:s29+s2], $0x140, $0x38;
	[tilespmem:$0x158C0] =	vst v63  }
0xe3: {  	s29 =	sadd.s32 $0xFFFFEC00, s13  }
0xe4: {  	[hbm4b:s29+s2] =	stream.linear.scatter [tilespmem:s28], [sflag:$0x6], $0xA000, $0x38;
	[tilespmem:$0x158C0] =	vst v63  }
0xe5: {  	_ =	swait.ge [sflag:s25], $0x4000  }
0xe6: {  	[sflag:s25] =	ssyncset.done $0x0  }
0xe7: {  	[sflag:s25] =	ssyncadd.s32 $0xFFFFC000  }
0xe8: {  	_ =	swait.ge [sflag:s25], $0x4000  }
0xe9: {  	[sflag:s25] =	ssyncset.done $0x0  }
0xea: {  	[sflag:s25] =	ssyncadd.s32 $0xFFFFC000  }
0xeb: {  	_ =	swait.ge [sflag:s25], $0x2000  }
0xec: {  	[sflag:s25] =	ssyncset.done $0x0  }
0xed: {  	[sflag:s25] =	ssyncadd.s32 $0xFFFFE000  }
0xee: {  	_ =	swait.ge [sflag:s12], $0xA000  }
0xef: {  	[sflag:s12] =	ssyncset.done $0x0  }
0xf0: {  	[sflag:s12] =	ssyncadd.s32 $0xFFFF6000  }
0xf1: {  	_ =	swait.ge [sflag:s26], $0x140  }
0xf2: {  	[sflag:s26] =	ssyncset.done $0x0  }
0xf3: {  	[sflag:s26] =	ssyncadd.s32 $0xFFFFFEC0  }
0xf4: {  	_ =	swait.ge [sflag:s26], $0x140  }
0xf5: {  	[sflag:s26] =	ssyncset.done $0x0  }
0xf6: {  	[sflag:s26] =	ssyncadd.s32 $0xFFFFFEC0  }
0xf7: {  	[tilespmem:s28], [sflag:$0x2] =	stream.indirect.gather [hbm4b:s3+s19], $0x80, s16, s19, $0xb8;
	[tilespmem:$0x158C0] =	vst v63  }
0xf8: {  	s31 =	simm.s32 $0x200  }
0xf9: {  	[tilespmem:s30], [sflag:$0x2] =	stream.indirect.gather [hbm4b:s3+s19], $0x80, s31, s19, $0xb8;
	[tilespmem:$0x158C0] =	vst v63  }
0xfa: {  	_ = 	snop  }
0xfb: {  	[tilespmem:s0], [sflag:$0x2] =	stream.indirect.gather [hbm4b:s3+s22], $0x80, s10, s22, $0xb8;
	[tilespmem:$0x158C0] =	vst v63  }
0xfc: {  	s31 =	simm.s32 $0x300  }
0xfd: {  	[tilespmem:s20], [sflag:$0x3] =	stream.indirect.gather.add.f32 [spmem:s1], $0x80, s31, s19, $0xb8;
	[tilespmem:$0x158C0] =	vst v63  }
0xfe: {  	_ = 	snop  }
0xff: {  	[tilespmem:s21], [sflag:$0x3] =	stream.indirect.gather.add.f32 [spmem:s1], $0x80, s5, s19, $0xb8;
	[tilespmem:$0x158C0] =	vst v63  }
0x100: {  	_ = 	snop  }
0x101: {  	[tilespmem:s24], [sflag:$0x3] =	stream.indirect.gather.add.f32 [spmem:s1], $0x80, s9, s22, $0xb8;
	[tilespmem:$0x158C0] =	vst v63  }
0x102: {  	_ =	swait.ge [sflag:s6], $0x4000  }
0x103: {  	[sflag:s6] =	ssyncset.done $0x0  }
0x104: {  	[sflag:s6] =	ssyncadd.s32 $0xFFFFC000  }
0x105: {  	_ =	swait.ge [sflag:s6], $0x4000  }
0x106: {  	[sflag:s6] =	ssyncset.done $0x0  }
0x107: {  	[sflag:s6] =	ssyncadd.s32 $0xFFFFC000  }
0x108: {  	s14 =	sadd.s32 $0x50, s14;
	_ =	swait.ge [sflag:s6], $0x2000  }
0x109: {  	p1 =	sne.s32 s14, $0xC30;
	p2 =	seq.s32 s23, $0xBE0;
	s29 =	rddreg [dreg:$0x5]  }
0x10a: {  	s4 =	simm.s32 @!p2 $0x0;
	s31 =	rddreg [dreg:$0x4];
	[sflag:s6] =	ssyncset.done $0x0  }
.Ltmp0:
0x10b: {  	[sflag:s6] =	ssyncadd.s32 $0xFFFFE000;
	s29 =	sadd.s32 @!p2 s23, s29;
	(pc) =	sbr.rel @p1 .LBB2_2-.Ltmp0, $4  }
0x10c: {  	[tilespmem:s4], [sflag:$0x7] =	stream.linear.gather @!p2 [hbm4b:s29+s4], $0x140, $0x38;
	[tilespmem:$0x158C0] =	vst v63  }
0x10d: {  	s23 =	sadd.s32 @!p2 s23, s31;
	s29 =	simm.s32 @!p2 $0x300  }
0x10e: {  	[tilespmem:s29], [sflag:$0x7] =	stream.linear.gather @!p2 [hbm4b:s23+s4], $0x140, $0x38;
	[tilespmem:$0x158C0] =	vst v63  }
0x10f: {  	s15 =	smov.u32 s13;
	s13 =	sadd.s32 $0x2800, s13;
	s29 =	simm.s32 $0x100  }
0x110: {  	[hbm4b:s15+s2] =	stream.linear.scatter [tilespmem:s20], [sflag:$0x5], $0xA000, $0x38;
	[tilespmem:$0x158C0] =	vst v63  }
0x111: {  	_ =	swait.ge [sflag:s7], $0x4000  }
0x112: {  	[sflag:s7] =	ssyncset.done $0x0  }
0x113: {  	[sflag:s7] =	ssyncadd.s32 $0xFFFFC000  }
0x114: {  	_ =	swait.ge [sflag:s7], $0x4000  }
0x115: {  	[sflag:s7] =	ssyncset.done $0x0  }
0x116: {  	[sflag:s7] =	ssyncadd.s32 $0xFFFFC000  }
0x117: {  	_ =	swait.ge [sflag:s7], $0x2000  }
0x118: {  	[sflag:s7] =	ssyncset.done $0x0  }
0x119: {  	[sflag:s7] =	ssyncadd.s32 $0xFFFFE000  }
0x11a: {  	_ =	swait.ge [sflag:s8], $0xA000  }
0x11b: {  	[sflag:s8] =	ssyncset.done $0x0  }
0x11c: {  	[sflag:s8] =	ssyncadd.s32 $0xFFFF6000  }
0x11d: {  	[tilespmem:s28], [sflag:$0x4] =	stream.indirect.gather.add.f32 [spmem:s1], $0x80, s17, s19, $0xb8;
	[tilespmem:$0x158C0] =	vst v63  }
0x11e: {  	s4 =	simm.s32 $0x500  }
0x11f: {  	[tilespmem:s30], [sflag:$0x4] =	stream.indirect.gather.add.f32 [spmem:s1], $0x80, s4, s19, $0xb8;
	[tilespmem:$0x158C0] =	vst v63  }
0x120: {  	s15 =	simm.s32 $0x580  }
0x121: {  	[tilespmem:s0], [sflag:$0x4] =	stream.indirect.gather.add.f32 [spmem:s1], $0x80, s15, s22, $0xb8;
	[tilespmem:$0x158C0] =	vst v63  }
0x122: {  	_ =	swait.ge [sflag:s11], $0x4000  }
0x123: {  	[sflag:s11] =	ssyncset.done $0x0  }
0x124: {  	[sflag:s11] =	ssyncadd.s32 $0xFFFFC000  }
0x125: {  	_ =	swait.ge [sflag:s11], $0x4000  }
0x126: {  	[sflag:s11] =	ssyncset.done $0x0  }
0x127: {  	[sflag:s11] =	ssyncadd.s32 $0xFFFFC000  }
0x128: {  	_ =	swait.ge [sflag:s11], $0x2000  }
0x129: {  	[sflag:s11] =	ssyncset.done $0x0  }
0x12a: {  	s23 =	rddreg [dreg:$0x10];
	[sflag:s11] =	ssyncadd.s32 $0xFFFFE000  }
0x12b: {  	[hbm4b:s23+s2] =	stream.linear.scatter [tilespmem:s28], [sflag:$0x6], $0xA000, $0x38;
	[tilespmem:$0x158C0] =	vst v63  }
0x12c: {  	_ =	swait.ge [sflag:s12], $0xA000  }
0x12d: {  	s13 =	rddreg [dreg:$0x13]  }
0x12e: {  	s31 =	rddreg [dreg:$0x11];
	s13 =	sadd.s32 $0x1, s13  }
0x12f: {  	p1 =	sne.s32 s13, s31  }
.Ltmp1:
0x130: {  	_ = 	snop;
	(pc) =	sbr.rel @p1 .LBB2_1-.Ltmp1, $4  }
0x131: {  	_ = 	snop  }
0x132: {  	s5 =	simm.s32 $0x300  }
0x133: {  	s9 =	simm.s32 $0x200;
	s10 =	simm.s32 $0x280;
	[sflag:s12] =	ssyncset.done $0x0  }
0x134: {  	s15 =	simm.s32 $0x380;
	s23 =	simm.s32 $0x400;
	[sflag:s12] =	ssyncadd.s32 $0xFFFF6000  }
0x135: {  	_ =	sfence.sel $0x180000  }
0x136: {  	[bflag:$0x0] =	sbarrier.arrive $0xFFFF  }
0x137: {  	_ =	strace $0x90000047  }
0x138: {  	[bflag:$0x2] =	sbarrier.arrive $0xFFFF  }
0x139: {  	s0 =	rddreg [dreg:$0x3]  }
0x13a: {  	s0 =	sadd.s32 @!p0 $0x100000, s0  }
0x13b: {  	[sflag:s0] =	ssyncadd.tile.s32 @!p0 $0x1;
	_ =	shalt  }
.Lfunc_end2:
_tile_overlayer_lowered:
.L_overlay_start_2:
0x13c: {  	(tag) =	ssettag $0x2  }
0x13d: {  	s0 =	rddreg [dreg:$0x0];
	s2 =	stileid.u32  }
0x13e: {  	s1 =	rddreg [dreg:$0x1];
	p0 =	sne.s32 s2, $0x0  }
0x13f: {  	s3 =	rddreg [dreg:$0x2];
	[bflag:$0x3] =	sbarrier.arrive $0xFFFF;
	s2 =	simm.s32 @!p0 $0x1C09  }
0x140: {  	[timem:s3], [sflag:s2] =	dma.local @!p0 [hbm:s0], s1  }
0x141: {  	s0 =	simm.s32 @!p0 $0x9  }
0x142: {  	_ =	swait.ge @!p0 [sflag:s0], s1  }
0x143: {  	s1 =	ssub.s32 @!p0 $0x0, s1;
	[sflag:s0] =	ssyncset.done @!p0 $0x0  }
0x144: {  	[sflag:s0] =	ssyncadd.s32 @!p0 s1  }
0x145: {  	[bflag:$0x3] =	sbarrier.arrive $0xFFFF  }
0x146: {  	_ =	shalt  }

// kernel: sparse-core-data-format-call.cloned.1.call-start
scs
called_computation_lowered:
.L_overlay_start_0:
0x0: {  	s2 =	sld [smem:$0x3FD9]  }
0x1: {  	s3 =	sld [smem:$0x3FFE];
	_ =	sdelay $0x1  }
0x2: {  	s1 =	srdreg.scid  }
0x3: {  	s0 =	sand.u32 $0x1, s1  }
0x4: {  	s18 =	sshll.u32 s0, $0xA;
	s2 =	sadd.s32 s3, s2  }
0x5: {  	s2 =	sadd.s32 s2, s18  }
0x6: {  	[smem:$0x3FC3] =	sst s2  }
0x7: {  	_ = 	snop  }
0x8: {  	s2 =	sld [smem:$0x3FD0];
	(tm) =	ssettm $0x1  }
0x9: {  	s19 =	sld [smem:$0x3FFB];
	_ =	sdelay $0x3  }
0xa: {  	_ =	strace s19  }
0xb: {  	s3 =	sld [smem:$0x3FFC];
	_ =	sdelay $0x3  }
0xc: {  	_ =	strace s3  }
0xd: {  	s3 =	sld [smem:$0x3FFD];
	_ =	sdelay $0x3  }
0xe: {  	_ =	strace s3  }
0xf: {  	_ =	strace $0x8FFFFFFF  }
0x10: {  	s20 =	sld [smem:$0x3FDB];
	_ =	sdelay $0x1  }
0x11: {  	s4 =	simm.s32 $_scs_section_size  }
0x12: {  	s5 =	simm.s32 $_size__tile_overlayer_lowered;
	s6 =	simm.s32 $_tile_overlayer_lowered  }
0x13: {  	s23 =	simm.s32 $0x1BFF;
	s22 =	sshll.u32 s6, $0x1;
	s3 =	sadd.s32 s4, s20  }
0x14: {  	s7 =	simm.s32 $0x0;
	s21 =	sshll.u32 s5, $0x1;
	s5 =	sadd.s32 s22, s3  }
0x15: {  	[timem:s7], [sflag:s23] =	dma.local [hbm:s5], s21  }
0x16: {  	_ =	swait.ge [sflag:s23], s21  }
0x17: {  	s4 =	ssub.s32 $0x0, s21;
	[sflag:s23] =	ssyncset.done $0x0  }
0x18: {  	[sflag:s23] =	ssyncadd.s32 s4;
	_ =	sdelay $0x1  }
0x19: {  	s24 =	simm.s32 $0x1B8B  }
0x1a: {  	_ =	swait.ge [sflag:s24], $0x1  }
0x1b: {  	[sflag:s24] =	ssyncset.done $0x0  }
0x1c: {  	s26 =	simm.s32 $0x1B8E;
	s25 =	sld [smem:$0x3FFE];
	[sflag:s24] =	ssyncadd.s32 $0xFFFFFFFF  }
0x1d: {  	s27 =	simm.s32 $execute0_lowered;
	[smem:$0x3FD2] =	sst s26  }
0x1e: {  	s5 =	sshll.u32 s27, $0x1;
	_ =	strace $0x80000049;
	[dreg:$0x1] =	wrdreg $0xFFFFFFFF  }
0x1f: {  	s28 =	simm.s32 $_size_execute0_lowered;
	s3 =	sadd.s32 s3, s5;
	[dreg:$0x0] =	wrdreg $0x0  }
0x20: {  	s5 =	sshll.u32 s28, $0x1;
	[dreg:$0x2] =	wrdreg s3  }
0x21: {  	[dreg:$0x3] =	wrdreg s5  }
0x22: {  	[dreg:$0x4] =	wrdreg $0xC0  }
0x23: {  	_ =	task [dreg:s7], $0x5FFFF  }
0x24: {  	[dreg:$0x1] =	wrdreg $0xFFFFFFFF  }
0x25: {  	[dreg:$0x0] =	wrdreg $0x60  }
0x26: {  	[dreg:$0x2] =	wrdreg s25  }
0x27: {  	[dreg:$0x3] =	wrdreg s2  }
0x28: {  	[dreg:$0x4] =	wrdreg $0x9  }
0x29: {  	_ =	task.clear_ibuf [dreg:s7], $0x5FFFF;
	_ =	strace $0x90000049  }
0x2a: {  	s29 =	simm.s32 $0x9;
	_ =	strace $0x8000004B  }
0x2b: {  	_ =	swait.ge [sflag:s29], $0x1  }
0x2c: {  	[sflag:s29] =	ssyncadd.s32 $0xFFFFFFFF  }
0x2d: {  	_ =	strace $0x9000004B  }
0x2e: {  	_ =	sfence  }
0x2f: {  	s30 =	sld [smem:$0x0];
	_ =	sdelay $0x2  }
0x30: {  	s31 =	sshll.u32 s1, $0xD;
	s1 =	sshrl.u32 s1, $0x2  }
0x31: {  	s3 =	sand.u32 $0x4000, s31;
	s1 =	sadd.s32 s1, s30  }
0x32: {  	s0 =	sor.u32 s3, s0;
	s1 =	sshll.u32 s1, $0x11  }
0x33: {  	s0 =	sor.u32 s1, s0  }
0x34: {  	s0 =	sadd.s32 $0x8F2B, s0  }
0x35: {  	[sflag:s0] =	ssyncadd.remote.s32 $0x1  }
0x36: {  	_ =	sfence.sel $0xFFFF  }
0x37: {  	[dreg:$0x0] =	wrdreg $0xFFFFFFFF;
	(pc) =	sbr.abs _section_cstart, $3  }
0x38: {  	[dreg:$0x1] =	wrdreg $0xFFFFFFFF  }
0x39: {  	_ =	task.clear_ibuf [dreg:s7], $0x2FFFF;
	_ =	strace $0x9FFFFFFF  }
0x3a: {  	(tm) =	ssettm $0x7FFFFFFF  }
0x3b: {  	_ =	shalt  }
tec
execute0_lowered:
.L_overlay_start_1:
0x0: {  	(tag) =	ssettag $0x1  }
0x1: {  	s0 =	srdreg.scid  }
0x2: {  	s1 =	sshll.u32 s0, $0x4  }
0x3: {  	s0 =	stileid.u32;
	s1 =	sand.u32 $0x10, s1  }
0x4: {  	s1 =	sor.u32 s0, s1  }
0x5: {  	s6 =	rddreg [dreg:$0x0];
	s4 =	simm.s32 $0x1;
	s2 =	sshll.u32 s1, $0x7  }
0x6: {  	s7 =	simm.s32 $0x2;
	s12 =	simm.s32 $0x0;
	s1 =	ssub.s32 $0x1000, s2  }
0x7: {  	s8 =	simm.s32 $0x8000;
	s13 =	simm.s32 $0x0;
	s3 =	sand.u32 $0xF80, s1  }
0x8: {  	s9 =	simm.s32 $0x0;
	s5 =	sshrl.u32 s1, $0xC;
	p0 =	sne.s32 s3, $0x0  }
.Ltmp0:
0x9: {  	s1 =	rddreg [dreg:$0x2];
	s4 =	simm.s32 @!p0 $0x0;
	(pc) =	sbr.rel .LBB1_1-.Ltmp0, $4  }
0xa: {  	s11 =	simm.s32 $0x0;
	s3 =	rddreg [dreg:$0x1];
	s5 =	sadd.s32 s4, s5  }
0xb: {  	_ =	strace $0x8000004A;
	s4 =	simm.s32 $0x1;
	s5 =	smul.u32 $0xC8, s5  }
0xc: {  	s6 =	sadd.s32 $0x1CA00, s6;
	s10 =	smov.u32 s2;
	[sflag:s4] =	ssyncpa.u1 $0x0  }
0xd: {  	p0 =	por $0x0, $0x0;
	[sflag:s7] =	ssyncpa.u1 $0x0;
	s7 =	sor.u32 $0x1, s5  }
.LBB1_4:
0xe: {  	s16 =	sshll.u32 s13, $0x3;
	s17 =	sand.u32 $0x78, s13  }
0xf: {  	s30 =	sand.u32 $0x7E00, s13;
	s12 =	sshll.u32 s12, $0xF;
	s16 =	sand.u32 $0xC00, s16  }
0x10: {  	[tilespmem:s15+$0x810 ss:$0x81] =	vst.msk $0xffff, v2;
	s31 =	sand.u32 $0x7, s13;
	s16 =	sor.u32 s17, s16;
	s17 =	sadd.s32 s3, s30  }
0x11: {  	[tilespmem:s15+$0x1020 ss:$0x81] =	vst.msk $0xffff, v0;
	s13 =	sshll.u32 s31, $0x12;
	s12 =	sadd.s32 s12, s17;
	s16 =	sshrl.u32 s16, $0x3  }
0x12: {  	[tilespmem:s15+$0x0 ss:$0x81] =	vst.msk $0xffff, v1;
	s13 =	sor.u32 $0x400, s13;
	s12 =	sadd.s32 s16, s12  }
0x13: {  	[hbm4b:s12+s13] =	stream.strided.scatter [tilespmem:s14], [sflag:$0x2], $0x2000, s8, s13, $0x20;
	[tilespmem:$0x8080] =	vst v63  }
.LBB1_5:
0x14: {  	s14 =	sadd.s32 $0x1, s9  }
0x15: {  	s12 =	sadd.s32 $0x1000, s10;
	s16 =	smov.u32 s10;
	p2 =	sgt.s32 s14, $0xC7  }
0x16: {  	s16 =	smov.u32 @p2 s12  }
0x17: {  	s14 =	simm.s32 @p2 $0x0;
	p2 =	sgt.s32 s16, $0xFFF  }
0x18: {  	s16 =	smov.u32 @p2 s2;
	p2 =	sne.s32 s11, s7  }
.Ltmp1:
0x19: {  	p1 =	slt.u32 s11, $0x2;
	(pc) =	sbr.rel @!p2 .LBB1_6-.Ltmp1, $4  }
0x1a: {  	s15 =	simm.s32 @!p1 $0x2  }
0x1b: {  	s13 =	smov.u32 s10;
	p0 =	por !p0, !p0;
	_ =	swait.ge @!p1 [sflag:s15], $0x2000  }
0x1c: {  	s12 =	smov.u32 s9;
	[sflag:s15] =	ssyncset.done @!p1 $0x0;
	s9 =	smov.u32 s14  }
0x1d: {  	s11 =	sadd.s32 $0x1, s11;
	[sflag:s15] =	ssyncadd.s32 @!p1 $0xFFFFE000;
	s10 =	smov.u32 s16  }
.LBB1_1:
0x1e: {  	p1 =	sge.u32 s11, s5  }
0x1f: {  	s14 =	sand.u32 @!p1 $0x1FFFFFF, s9  }
0x20: {  	s15 =	smulhi.u32 @!p1 $0x147AE15, s14;
	_ =	sdelay $0x1  }
0x21: {  	s15 =	smul.u32 @!p1 $0xC8, s15  }
0x22: {  	s16 =	sxor.u32 @!p1 $0xFFFFFFFF, s11;
	s17 =	smul.u32 @!p1 $0xC80, s10  }
0x23: {  	s31 =	sadd.s32 $0xFFFFFFFF, s11;
	s16 =	sshll.u32 @!p1 s16, $0xD;
	s14 =	ssub.s32 @!p1 s14, s15  }
0x24: {  	s15 =	sand.u32 @!p1 $0x2000, s16;
	s16 =	sadd.s32 @!p1 s6, s17;
	s14 =	sshll.u32 @!p1 s14, $0x4  }
0x25: {  	s17 =	simm.s32 @!p1 $0x6400;
	s14 =	sadd.s32 @!p1 s14, s16;
	s16 =	simm.s32 @!p1 $0x40  }
0x26: {  	[tilespmem:s15], [sflag:$0x1] =	stream.strided.gather @!p1 [hbm4b:s14+s16], $0x2000, s17, s16, $0x38;
	[tilespmem:$0x8080] =	vst v63  }
0x27: {  	p1 =	sge.u32 s31, s5  }
.Ltmp2:
0x28: {  	_ = 	snop;
	(pc) =	sbr.rel @p1 .LBB1_5-.Ltmp2, $1  }
0x29: {  	_ =	sdelay $0x3  }
0x2a: {  	s14 =	simm.s32 $0x1  }
0x2b: {  	_ =	swait.ge [sflag:s4], $0x2000;
	s14 =	simm.s32 @!p0 $0x0  }
0x2c: {  	[sflag:s4] =	ssyncset.done $0x0;
	s15 =	sshll.u32 s14, $0xD  }
0x2d: {  	[sflag:s4] =	ssyncadd.s32 $0xFFFFE000;
	s18 =	sor.u32 $0x20, s15  }
0x2e: {  	s14 =	smul.u32 $0x8100, s14;
	v3 =	vld [tilespmem:s18+$0x10]  }
0x2f: {  	s30 =	sand.u32 $0x1, s11;
	v2 =	vld [tilespmem:s18+$0xFFFFFFF0]  }
0x30: {  	s15 =	smul.u32 $0x8100, s30;
	s14 =	sshrl.u32 s14, $0x2;
	v0 =	vld [tilespmem:s18+$0x0]  }
0x31: {  	v1 =	vld [tilespmem:s18+$0xFFFFFFE0];
	s16 =	sor.u32 $0x4000, s14  }
0x32: {  	s31 =	sshrl.u32 s15, $0x2;
	s15 =	sadd.s32 $0x0, s16  }
0x33: {  	s17 =	simm.s32 $0x4;
	s18 =	sadd.s32 $0x40, s18;
	s14 =	sor.u32 $0x4000, s31;
	[tilespmem:s15+$0x1830 ss:$0x81] =	vst.msk $0xffff, v3  }
.LBB1_3:
0x34: {  	v3 =	vld [tilespmem:s18+$0x10];
	p1 =	sne.s32 s17, $0x1FC;
	[tilespmem:s15+$0x810 ss:$0x81] =	vst.msk $0xffff, v2;
	s19 =	smov.u32 s17;
	s17 =	sadd.s32 $0x4, s17  }
.Ltmp3:
0x35: {  	v2 =	vld [tilespmem:s18+$0xFFFFFFF0];
	[tilespmem:s15+$0x1020 ss:$0x81] =	vst.msk $0xffff, v0;
	(pc) =	sbr.rel @p1 .LBB1_3-.Ltmp3, $4  }
0x36: {  	v0 =	vld [tilespmem:s18+$0x0];
	[tilespmem:s15+$0x0 ss:$0x81] =	vst.msk $0xffff, v1  }
0x37: {  	s15 =	sshra.s32 s19, $0x2;
	v1 =	vld [tilespmem:s18+$0xFFFFFFE0]  }
0x38: {  	s15 =	sadd.s32 s15, s16  }
0x39: {  	s18 =	sadd.s32 $0x40, s18;
	[tilespmem:s15+$0x1830 ss:$0x81] =	vst.msk $0xffff, v3  }
.Ltmp4:
0x3a: {  	_ = 	snop;
	(pc) =	sbr.rel .LBB1_4-.Ltmp4, $1  }
0x3b: {  	_ =	sdelay $0x3  }
.LBB1_6:
0x3c: {  	_ =	sfence.sel $0x180000  }
0x3d: {  	s2 =	simm.s32 $0x1;
	[bflag:$0x0] =	sbarrier.arrive $0xFFFF  }
0x3e: {  	s31 =	simm.s32 $0x2;
	[sflag:s2] =	ssyncpa.u1 $0x1  }
0x3f: {  	[sflag:s31] =	ssyncpa.u1 $0x1  }
0x40: {  	p0 =	sne.s32 s0, $0x0;
	_ =	strace $0x9000004A  }
0x41: {  	s0 =	sadd.s32 @!p0 $0x100000, s1;
	[bflag:$0x2] =	sbarrier.arrive $0xFFFF  }
0x42: {  	[sflag:s0] =	ssyncadd.tile.s32 @!p0 $0x1;
	_ =	shalt  }
.Lfunc_end1:
_tile_overlayer_lowered:
.L_overlay_start_2:
0x43: {  	(tag) =	ssettag $0x2  }
0x44: {  	s0 =	rddreg [dreg:$0x0];
	s2 =	stileid.u32  }
0x45: {  	s1 =	rddreg [dreg:$0x1];
	p0 =	sne.s32 s2, $0x0  }
0x46: {  	s3 =	rddreg [dreg:$0x2];
	[bflag:$0x3] =	sbarrier.arrive $0xFFFF;
	s2 =	simm.s32 @!p0 $0x1C01  }
0x47: {  	[timem:s3], [sflag:s2] =	dma.local @!p0 [hbm:s0], s1  }
0x48: {  	s0 =	simm.s32 @!p0 $0x1  }
0x49: {  	_ =	swait.ge @!p0 [sflag:s0], s1  }
0x4a: {  	s1 =	ssub.s32 @!p0 $0x0, s1;
	[sflag:s0] =	ssyncset.done @!p0 $0x0  }
0x4b: {  	[sflag:s0] =	ssyncadd.s32 @!p0 s1  }
0x4c: {  	[bflag:$0x3] =	sbarrier.arrive $0xFFFF  }
0x4d: {  	_ =	shalt  }

</sc_bundles>
